<compile_context>
chip_gen: v7x
topology: tpu7x:2x2x1
jax: 0.10.2.dev20260603
libtpu: 0.0.44.dev20260713+nightly
codegen_flags: <defaults>
</compile_context>

<pallas_src>
import functools

import jax
import jax.numpy as jnp
from jax import lax
from jax.experimental import pallas as pl
from jax.experimental.pallas import tpu as pltpu
from jax.experimental.pallas import tpu_sc as plsc

F = 26
SEG = 38462
B = 16384
TOT = F * SEG
MROWS = 7808
MAIN = MROWS * 128
TAIL = TOT - MAIN
NC = 2
NS = 16
HB = B // NC
LANES = 16
SROWS = 312
STRIPE = HB // NS
NQ = 4
QB = HB // NQ


def _seg_row0(f):
    r0 = lax.bitwise_and(f * SEG // 128, ~7)
    return pl.multiple_of(jnp.minimum(r0, MROWS - SROWS), 8)


def _gather_quarter(xcol, seg, delta, partial, q, first, tailv=None, lim=None):
    def chunk(off):
        xv = xcol[0, pl.ds(off, LANES)]
        li = xv + delta
        r = lax.shift_right_logical(li, 7)
        cc = lax.bitwise_and(li, 127)
        v = plsc.load_gather(seg, [r, cc])
        if tailv is not None:
            ti = jnp.clip(li - lim, 0, TAIL - 1)
            tv = plsc.load_gather(tailv, [ti])
            v = jnp.where(li >= lim, tv, v)
        if first:
            partial[pl.ds(off, LANES)] = v
        else:
            partial[pl.ds(off, LANES)] = partial[pl.ds(off, LANES)] + v

    def it(i, _):
        chunk(q * QB + i * 2 * LANES)
        chunk(q * QB + i * 2 * LANES + LANES)
        return 0

    lax.fori_loop(0, QB // (2 * LANES), it, 0)


def _body(x_hbm, tab2d, tail_hbm, bias_hbm, out_hbm,
          xcol0, xcol1, seg0, seg1, tailv, partial,
          iot0, iot1, iot2, iot3, outv, biasv, accum, sem):
    c = lax.axis_index("c")
    s = lax.axis_index("s")
    iots = [iot0, iot1, iot2, iot3]

    two = s < 10
    f0 = jnp.where(two, 2 * s, s + 10)
    f1 = 2 * s + 1
    r00 = _seg_row0(f0)
    r01 = _seg_row0(f1)

    pltpu.async_copy(x_hbm.at[pl.ds(f0, 1), pl.ds(c * HB, HB)], xcol0, sem)
    pltpu.async_copy(tab2d.at[pl.ds(r00, SROWS), :], seg0, sem)
    pltpu.async_copy(bias_hbm, biasv, sem)

    @pl.when(two)
    def _():
        pltpu.async_copy(x_hbm.at[pl.ds(f1, 1), pl.ds(c * HB, HB)], xcol1, sem)
        pltpu.async_copy(tab2d.at[pl.ds(r01, SROWS), :], seg1, sem)

    @pl.when(s == 15)
    def _():
        pltpu.async_copy(tail_hbm, tailv, sem)

    for q in range(NQ):
        iq = iots[q]

        def gi(i, _):
            iq[pl.ds(i * LANES, LANES)] = (
                q * QB + i * LANES + lax.iota(jnp.int32, LANES)
            )
            return 0

        lax.fori_loop(0, QB // LANES, gi, 0)

    def z(i, _):
        outv[pl.ds(i * LANES, LANES)] = jnp.zeros((LANES,), jnp.float32)
        return 0

    lax.fori_loop(0, STRIPE // LANES, z, 0)
    pltpu.sync_copy(outv, accum.at[pl.ds(s * STRIPE, STRIPE)])
    plsc.subcore_barrier()

    pltpu.make_async_copy(x_hbm.at[pl.ds(f0, 1), pl.ds(c * HB, HB)], xcol0, sem).wait()
    pltpu.make_async_copy(tab2d.at[pl.ds(r00, SROWS), :], seg0, sem).wait()
    pltpu.make_async_copy(bias_hbm, biasv, sem).wait()

    @pl.when(s == 15)
    def _():
        pltpu.make_async_copy(tail_hbm, tailv, sem).wait()

    d0 = f0 * SEG - r00 * 128
    d1 = f1 * SEG - r01 * 128
    for q in range(NQ):
        @pl.when(s < 15)
        def _():
            _gather_quarter(xcol0, seg0, d0, partial, q, True)

        @pl.when(s == 15)
        def _():
            _gather_quarter(xcol0, seg0, 25 * SEG - r00 * 128, partial, q,
                            True, tailv=tailv, lim=SROWS * 128)

    @pl.when(two)
    def _():
        pltpu.make_async_copy(x_hbm.at[pl.ds(f1, 1), pl.ds(c * HB, HB)], xcol1, sem).wait()
        pltpu.make_async_copy(tab2d.at[pl.ds(r01, SROWS), :], seg1, sem).wait()

    for q in range(NQ):
        @pl.when(two)
        def _():
            _gather_quarter(xcol1, seg1, d1, partial, q, False)

        pltpu.async_copy(partial.at[pl.ds(q * QB, QB)],
                         accum.at[iots[q]], sem, add=True)

    for q in range(NQ):
        pltpu.make_async_copy(partial.at[pl.ds(q * QB, QB)],
                              accum.at[iots[q]], sem).wait()
    plsc.subcore_barrier()

    pltpu.sync_copy(accum.at[pl.ds(s * STRIPE, STRIPE)], outv)
    bv = biasv[pl.ds(0, LANES)]

    def badd(i, _):
        outv[pl.ds(i * LANES, LANES)] = outv[pl.ds(i * LANES, LANES)] + bv
        return 0

    lax.fori_loop(0, STRIPE // LANES, badd, 0)
    pltpu.sync_copy(outv, out_hbm.at[pl.ds(c * HB + s * STRIPE, STRIPE)])


_lookup = functools.partial(
    pl.kernel,
    out_type=jax.ShapeDtypeStruct((B,), jnp.float32),
    mesh=plsc.VectorSubcoreMesh(
        core_axis_name="c", subcore_axis_name="s", num_cores=NC, num_subcores=NS
    ),
    scratch_types=[
        pltpu.VMEM((1, HB), jnp.int32),
        pltpu.VMEM((1, HB), jnp.int32),
        pltpu.VMEM((SROWS, 128), jnp.float32),
        pltpu.VMEM((SROWS, 128), jnp.float32),
        pltpu.VMEM((TAIL,), jnp.float32),
        pltpu.VMEM((HB,), jnp.float32),
        pltpu.VMEM((QB,), jnp.int32),
        pltpu.VMEM((QB,), jnp.int32),
        pltpu.VMEM((QB,), jnp.int32),
        pltpu.VMEM((QB,), jnp.int32),
        pltpu.VMEM((STRIPE,), jnp.float32),
        pltpu.VMEM((LANES,), jnp.float32),
        pltpu.VMEM_SHARED((HB,), jnp.float32),
        pltpu.SemaphoreType.DMA,
    ],
    compiler_params=pltpu.CompilerParams(needs_layout_passes=False),
)(_body)


def kernel(x, fc_weight, bias):
    tab2d = fc_weight[:MAIN].reshape(MROWS, 128)
    tail = fc_weight[MAIN:].reshape(TAIL)
    bias16 = jnp.broadcast_to(bias, (LANES,))
    out = _lookup(x.astype(jnp.int32).T, tab2d, tail, bias16)
    return out[:, None]

# --- scband reference (transcript-rebuilt; emitter-appended) ---
"""Pipeline reference for scband-features-linear-82214263980044 (READ-ONLY COPY).

The authoritative reference and input builder live on the scoring server;
editing this copy changes nothing except your own understanding.
"""

import jax, jax.numpy as jnp
import numpy as np

FIELD_DIMS = [38462] * 26
BATCH = 16384
OUTPUT_DIM = 1
TOTAL = sum(FIELD_DIMS)
OFFSETS = jnp.asarray(np.array((0, *np.cumsum(FIELD_DIMS)[:-1]), dtype=np.int64))

def setup_inputs(seed: int = 0) -> dict:
    key = jax.random.key(seed)
    k1, k2 = jax.random.split(key)
    x = jax.random.randint(k1, (BATCH, 26), 0, 38462, dtype=jnp.int64)
    fc_weight = jax.random.normal(k2, (TOTAL, OUTPUT_DIM), dtype=jnp.float32) * 0.01
    bias = jnp.zeros((OUTPUT_DIM,), dtype=jnp.float32)
    return {"x": x, "fc_weight": fc_weight, "bias": bias}

def reference(x, fc_weight, bias):
    idx = x + OFFSETS[None, :]
    emb = jnp.take(fc_weight, idx, axis=0)  # [B, F, output_dim]
    return jnp.sum(emb, axis=1) + bias

if __name__ == "__main__":
    import jax
    _d = setup_inputs()
    print(jax.jit(kernel)(*tuple(_d.values())))

</pallas_src>

<mosaic_0001>
#map = affine_map<(d0, d1) -> (0, 0)>
#map1 = affine_map<(d0, d1) -> (0)>
module attributes {stable_mosaic.version = 14 : i64} {
  func.func @_body(%arg0: i32, %arg1: i32, %arg2: memref<26x16384xi32, #tpu.memory_space<hbm>>, %arg3: memref<7808x128xf32, #tpu.memory_space<hbm>>, %arg4: memref<588xf32, #tpu.memory_space<hbm>>, %arg5: memref<16xf32, #tpu.memory_space<hbm>>, %arg6: memref<16384xf32, #tpu.memory_space<hbm>>, %arg7: memref<1x8192xi32, #tpu.memory_space<vmem>>, %arg8: memref<1x8192xi32, #tpu.memory_space<vmem>>, %arg9: memref<312x128xf32, #tpu.memory_space<vmem>>, %arg10: memref<312x128xf32, #tpu.memory_space<vmem>>, %arg11: memref<588xf32, #tpu.memory_space<vmem>>, %arg12: memref<8192xf32, #tpu.memory_space<vmem>>, %arg13: memref<2048xi32, #tpu.memory_space<vmem>>, %arg14: memref<2048xi32, #tpu.memory_space<vmem>>, %arg15: memref<2048xi32, #tpu.memory_space<vmem>>, %arg16: memref<2048xi32, #tpu.memory_space<vmem>>, %arg17: memref<512xf32, #tpu.memory_space<vmem>>, %arg18: memref<16xf32, #tpu.memory_space<vmem>>, %arg19: memref<8192xf32, #tpu.memory_space<vmem_shared>>, %arg20: memref<!tpu.dma_semaphore, #tpu.memory_space<semaphore_mem>>) attributes {dimension_semantics = [#tpu.dimension_semantics<core_parallel>, #tpu.dimension_semantics<subcore_parallel>], iteration_bounds = array<i64: 2, 16>, scalar_prefetch = 0 : i64, scratch_operands = 14 : i64, tpu.core_type = #tpu.core_type<sc_vector_subcore>, window_params = [{transform_indices = #map}, {transform_indices = #map}, {transform_indices = #map1}, {transform_indices = #map1}, {transform_indices = #map1}]} {
    %lt3A = arith.constant 10 : i32
    %lt3A_0 = arith.cmpi slt, %arg1, %lt3A : i32
    %mul3A = arith.constant 2 : i32
    %mul3A_1 = arith.muli %mul3A, %arg1 : i32
    %add3A = arith.constant 10 : i32
    %add3A_2 = arith.addi %arg1, %add3A : i32
    %select_n3A = arith.select %lt3A_0, %mul3A_1, %add3A_2 : i32
    %mul3A_3 = arith.constant 2 : i32
    %mul3A_4 = arith.muli %mul3A_3, %arg1 : i32
    %add3A_5 = arith.constant 1 : i32
    %add3A_6 = arith.addi %mul3A_4, %add3A_5 : i32
    %mul3A_7 = arith.constant 38462 : i32
    %mul3A_8 = arith.muli %select_n3A, %mul3A_7 : i32
    %jit3A = arith.constant 128 : i32
    %div3A = arith.divsi %mul3A_8, %jit3A : i32
    %sign3A = arith.constant 0 : i32
    %sign3A_9 = arith.cmpi sgt, %mul3A_8, %sign3A : i32
    %sign3A_10 = arith.extui %sign3A_9 : i1 to i32
    %sign3A_11 = arith.constant 0 : i32
    %sign3A_12 = arith.cmpi slt, %mul3A_8, %sign3A_11 : i32
    %sign3A_13 = arith.extui %sign3A_12 : i1 to i32
    %sign3A_14 = arith.subi %sign3A_10, %sign3A_13 : i32
    %sign3A_15 = arith.constant 0 : i32
    %sign3A_16 = arith.cmpi sgt, %jit3A, %sign3A_15 : i32
    %sign3A_17 = arith.extui %sign3A_16 : i1 to i32
    %sign3A_18 = arith.constant 0 : i32
    %sign3A_19 = arith.cmpi slt, %jit3A, %sign3A_18 : i32
    %sign3A_20 = arith.extui %sign3A_19 : i1 to i32
    %sign3A_21 = arith.subi %sign3A_17, %sign3A_20 : i32
    %ne3A = arith.cmpi ne, %sign3A_14, %sign3A_21 : i32
    %rem3A = arith.remsi %mul3A_8, %jit3A : i32
    %ne3A_22 = arith.constant 0 : i32
    %ne3A_23 = arith.cmpi ne, %rem3A, %ne3A_22 : i32
    %and3A = arith.andi %ne3A, %ne3A_23 : i1
    %sub3A = arith.constant 1 : i32
    %sub3A_24 = arith.subi %div3A, %sub3A : i32
    %select_n3A_25 = arith.select %and3A, %sub3A_24, %div3A : i32
    %and3A_26 = arith.constant -8 : i32
    %and3A_27 = arith.andi %select_n3A_25, %and3A_26 : i32
    %min3A = arith.constant 7496 : i32
    %min3A_28 = arith.minsi %and3A_27, %min3A : i32
    %multiple_of3A = tpu.assume_multiple %min3A_28, 8 : i32
    %mul3A_29 = arith.constant 38462 : i32
    %mul3A_30 = arith.muli %add3A_6, %mul3A_29 : i32
    %jit3A_31 = arith.constant 128 : i32
    %div3A_32 = arith.divsi %mul3A_30, %jit3A_31 : i32
    %sign3A_33 = arith.constant 0 : i32
    %sign3A_34 = arith.cmpi sgt, %mul3A_30, %sign3A_33 : i32
    %sign3A_35 = arith.extui %sign3A_34 : i1 to i32
    %sign3A_36 = arith.constant 0 : i32
    %sign3A_37 = arith.cmpi slt, %mul3A_30, %sign3A_36 : i32
    %sign3A_38 = arith.extui %sign3A_37 : i1 to i32
    %sign3A_39 = arith.subi %sign3A_35, %sign3A_38 : i32
    %sign3A_40 = arith.constant 0 : i32
    %sign3A_41 = arith.cmpi sgt, %jit3A_31, %sign3A_40 : i32
    %sign3A_42 = arith.extui %sign3A_41 : i1 to i32
    %sign3A_43 = arith.constant 0 : i32
    %sign3A_44 = arith.cmpi slt, %jit3A_31, %sign3A_43 : i32
    %sign3A_45 = arith.extui %sign3A_44 : i1 to i32
    %sign3A_46 = arith.subi %sign3A_42, %sign3A_45 : i32
    %ne3A_47 = arith.cmpi ne, %sign3A_39, %sign3A_46 : i32
    %rem3A_48 = arith.remsi %mul3A_30, %jit3A_31 : i32
    %ne3A_49 = arith.constant 0 : i32
    %ne3A_50 = arith.cmpi ne, %rem3A_48, %ne3A_49 : i32
    %and3A_51 = arith.andi %ne3A_47, %ne3A_50 : i1
    %sub3A_52 = arith.constant 1 : i32
    %sub3A_53 = arith.subi %div3A_32, %sub3A_52 : i32
    %select_n3A_54 = arith.select %and3A_51, %sub3A_53, %div3A_32 : i32
    %and3A_55 = arith.constant -8 : i32
    %and3A_56 = arith.andi %select_n3A_54, %and3A_55 : i32
    %min3A_57 = arith.constant 7496 : i32
    %min3A_58 = arith.minsi %and3A_56, %min3A_57 : i32
    %multiple_of3A_59 = tpu.assume_multiple %min3A_58, 8 : i32
    %mul3A_60 = arith.constant 8192 : i32
    %mul3A_61 = arith.muli %arg0, %mul3A_60 : i32
    %dma_start3A = tpu.memref_slice %arg2[%select_n3A, %mul3A_61] : memref<26x16384xi32, #tpu.memory_space<hbm>> -> memref<1x8192xi32, #tpu.memory_space<hbm>>
    %dma_start3A_62 = tpu.memref_slice %arg2[%select_n3A, %mul3A_61] : memref<26x16384xi32, #tpu.memory_space<hbm>> -> memref<1x8192xi32, #tpu.memory_space<hbm>>
    tpu.enqueue_dma source(%dma_start3A_62 : memref<1x8192xi32, #tpu.memory_space<hbm>>) target(%arg7 : memref<1x8192xi32, #tpu.memory_space<vmem>>) target_semaphore(%arg20 : memref<!tpu.dma_semaphore, #tpu.memory_space<semaphore_mem>>)
    %dma_start3A_63 = arith.constant 0 : i32
    %dma_start3A_64 = tpu.memref_slice %arg3[%multiple_of3A, %dma_start3A_63] : memref<7808x128xf32, #tpu.memory_space<hbm>> -> memref<312x128xf32, #tpu.memory_space<hbm>>
    %dma_start3A_65 = arith.constant 0 : i32
    %dma_start3A_66 = tpu.memref_slice %arg3[%multiple_of3A, %dma_start3A_65] : memref<7808x128xf32, #tpu.memory_space<hbm>> -> memref<312x128xf32, #tpu.memory_space<hbm>>
    tpu.enqueue_dma source(%dma_start3A_66 : memref<312x128xf32, #tpu.memory_space<hbm>>) target(%arg9 : memref<312x128xf32, #tpu.memory_space<vmem>>) target_semaphore(%arg20 : memref<!tpu.dma_semaphore, #tpu.memory_space<semaphore_mem>>)
    tpu.enqueue_dma source(%arg5 : memref<16xf32, #tpu.memory_space<hbm>>) target(%arg18 : memref<16xf32, #tpu.memory_space<vmem>>) target_semaphore(%arg20 : memref<!tpu.dma_semaphore, #tpu.memory_space<semaphore_mem>>)
    %convert_element_type3A = arith.extui %lt3A_0 : i1 to i32
    %cond3A = arith.constant 0 : i32
    %cond3A_67 = arith.cmpi ne, %convert_element_type3A, %cond3A : i32
    scf.if %cond3A_67 {
      %mul3A_233 = arith.constant 8192 : i32
      %mul3A_234 = arith.muli %arg0, %mul3A_233 : i32
      %dma_start3A_235 = tpu.memref_slice %arg2[%add3A_6, %mul3A_234] : memref<26x16384xi32, #tpu.memory_space<hbm>> -> memref<1x8192xi32, #tpu.memory_space<hbm>>
      %dma_start3A_236 = tpu.memref_slice %arg2[%add3A_6, %mul3A_234] : memref<26x16384xi32, #tpu.memory_space<hbm>> -> memref<1x8192xi32, #tpu.memory_space<hbm>>
      tpu.enqueue_dma source(%dma_start3A_236 : memref<1x8192xi32, #tpu.memory_space<hbm>>) target(%arg8 : memref<1x8192xi32, #tpu.memory_space<vmem>>) target_semaphore(%arg20 : memref<!tpu.dma_semaphore, #tpu.memory_space<semaphore_mem>>)
      %dma_start3A_237 = arith.constant 0 : i32
      %dma_start3A_238 = tpu.memref_slice %arg3[%multiple_of3A_59, %dma_start3A_237] : memref<7808x128xf32, #tpu.memory_space<hbm>> -> memref<312x128xf32, #tpu.memory_space<hbm>>
      %dma_start3A_239 = arith.constant 0 : i32
      %dma_start3A_240 = tpu.memref_slice %arg3[%multiple_of3A_59, %dma_start3A_239] : memref<7808x128xf32, #tpu.memory_space<hbm>> -> memref<312x128xf32, #tpu.memory_space<hbm>>
      tpu.enqueue_dma source(%dma_start3A_240 : memref<312x128xf32, #tpu.memory_space<hbm>>) target(%arg10 : memref<312x128xf32, #tpu.memory_space<vmem>>) target_semaphore(%arg20 : memref<!tpu.dma_semaphore, #tpu.memory_space<semaphore_mem>>)
    } else {
    }
    %eq3A = arith.constant 15 : i32
    %eq3A_68 = arith.cmpi eq, %arg1, %eq3A : i32
    %convert_element_type3A_69 = arith.extui %eq3A_68 : i1 to i32
    %cond3A_70 = arith.constant 0 : i32
    %cond3A_71 = arith.cmpi ne, %convert_element_type3A_69, %cond3A_70 : i32
    scf.if %cond3A_71 {
      tpu.enqueue_dma source(%arg4 : memref<588xf32, #tpu.memory_space<hbm>>) target(%arg11 : memref<588xf32, #tpu.memory_space<vmem>>) target_semaphore(%arg20 : memref<!tpu.dma_semaphore, #tpu.memory_space<semaphore_mem>>)
    } else {
    }
    %scan3A = arith.constant 0 : i32
    %scan3A_72 = arith.constant 0 : i32
    %scan3A_73 = arith.constant 128 : i32
    %scan3A_74 = arith.addi %scan3A_72, %scan3A_73 : i32
    %scan3A_75 = arith.constant 1 : i32
    %scan3A_76 = scf.for %scan3A_233 = %scan3A_72 to %scan3A_74 step %scan3A_75 iter_args(%scan3A_234 = %scan3A) -> (i32)  : i32 {
      %mul3A_235 = arith.constant 16 : i32
      %mul3A_236 = arith.muli %scan3A_233, %mul3A_235 : i32
      %add3A_237 = arith.constant 0 : i32
      %add3A_238 = arith.addi %add3A_237, %mul3A_236 : i32
      %iota3A = tpu.iota {dimensions = array<i32: 0>} : vector<16xi32>
      %add3A_239 = vector.broadcast %add3A_238 : i32 to vector<16xi32>
      %add3A_240 = arith.addi %add3A_239, %iota3A : vector<16xi32>
      %mul3A_241 = arith.constant 16 : i32
      %mul3A_242 = arith.muli %scan3A_233, %mul3A_241 : i32
      %swap3A = arith.index_cast %mul3A_242 : i32 to index
      %swap3A_243 = tpu.vector_load %arg13[%swap3A] {strides = array<i32>} : memref<2048xi32, #tpu.memory_space<vmem>>, vector<16xi32>,
      tpu.vector_store %arg13[%swap3A], %add3A_240 {strides = array<i32>} : memref<2048xi32, #tpu.memory_space<vmem>>, vector<16xi32>,
      %scan3A_244 = arith.constant 0 : i32
      scf.yield %scan3A_244 : i32
    }
    %scan3A_77 = arith.constant 128 : i32
    %scan3A_78 = arith.constant 0 : i32
    %scan3A_79 = arith.constant 0 : i32
    %scan3A_80 = arith.constant 128 : i32
    %scan3A_81 = arith.addi %scan3A_79, %scan3A_80 : i32
    %scan3A_82 = arith.constant 1 : i32
    %scan3A_83 = scf.for %scan3A_233 = %scan3A_79 to %scan3A_81 step %scan3A_82 iter_args(%scan3A_234 = %scan3A_78) -> (i32)  : i32 {
      %mul3A_235 = arith.constant 16 : i32
      %mul3A_236 = arith.muli %scan3A_233, %mul3A_235 : i32
      %add3A_237 = arith.constant 2048 : i32
      %add3A_238 = arith.addi %add3A_237, %mul3A_236 : i32
      %iota3A = tpu.iota {dimensions = array<i32: 0>} : vector<16xi32>
      %add3A_239 = vector.broadcast %add3A_238 : i32 to vector<16xi32>
      %add3A_240 = arith.addi %add3A_239, %iota3A : vector<16xi32>
      %mul3A_241 = arith.constant 16 : i32
      %mul3A_242 = arith.muli %scan3A_233, %mul3A_241 : i32
      %swap3A = arith.index_cast %mul3A_242 : i32 to index
      %swap3A_243 = tpu.vector_load %arg14[%swap3A] {strides = array<i32>} : memref<2048xi32, #tpu.memory_space<vmem>>, vector<16xi32>,
      tpu.vector_store %arg14[%swap3A], %add3A_240 {strides = array<i32>} : memref<2048xi32, #tpu.memory_space<vmem>>, vector<16xi32>,
      %scan3A_244 = arith.constant 0 : i32
      scf.yield %scan3A_244 : i32
    }
    %scan3A_84 = arith.constant 128 : i32
    %scan3A_85 = arith.constant 0 : i32
    %scan3A_86 = arith.constant 0 : i32
    %scan3A_87 = arith.constant 128 : i32
    %scan3A_88 = arith.addi %scan3A_86, %scan3A_87 : i32
    %scan3A_89 = arith.constant 1 : i32
    %scan3A_90 = scf.for %scan3A_233 = %scan3A_86 to %scan3A_88 step %scan3A_89 iter_args(%scan3A_234 = %scan3A_85) -> (i32)  : i32 {
      %mul3A_235 = arith.constant 16 : i32
      %mul3A_236 = arith.muli %scan3A_233, %mul3A_235 : i32
      %add3A_237 = arith.constant 4096 : i32
      %add3A_238 = arith.addi %add3A_237, %mul3A_236 : i32
      %iota3A = tpu.iota {dimensions = array<i32: 0>} : vector<16xi32>
      %add3A_239 = vector.broadcast %add3A_238 : i32 to vector<16xi32>
      %add3A_240 = arith.addi %add3A_239, %iota3A : vector<16xi32>
      %mul3A_241 = arith.constant 16 : i32
      %mul3A_242 = arith.muli %scan3A_233, %mul3A_241 : i32
      %swap3A = arith.index_cast %mul3A_242 : i32 to index
      %swap3A_243 = tpu.vector_load %arg15[%swap3A] {strides = array<i32>} : memref<2048xi32, #tpu.memory_space<vmem>>, vector<16xi32>,
      tpu.vector_store %arg15[%swap3A], %add3A_240 {strides = array<i32>} : memref<2048xi32, #tpu.memory_space<vmem>>, vector<16xi32>,
      %scan3A_244 = arith.constant 0 : i32
      scf.yield %scan3A_244 : i32
    }
    %scan3A_91 = arith.constant 128 : i32
    %scan3A_92 = arith.constant 0 : i32
    %scan3A_93 = arith.constant 0 : i32
    %scan3A_94 = arith.constant 128 : i32
    %scan3A_95 = arith.addi %scan3A_93, %scan3A_94 : i32
    %scan3A_96 = arith.constant 1 : i32
    %scan3A_97 = scf.for %scan3A_233 = %scan3A_93 to %scan3A_95 step %scan3A_96 iter_args(%scan3A_234 = %scan3A_92) -> (i32)  : i32 {
      %mul3A_235 = arith.constant 16 : i32
      %mul3A_236 = arith.muli %scan3A_233, %mul3A_235 : i32
      %add3A_237 = arith.constant 6144 : i32
      %add3A_238 = arith.addi %add3A_237, %mul3A_236 : i32
      %iota3A = tpu.iota {dimensions = array<i32: 0>} : vector<16xi32>
      %add3A_239 = vector.broadcast %add3A_238 : i32 to vector<16xi32>
      %add3A_240 = arith.addi %add3A_239, %iota3A : vector<16xi32>
      %mul3A_241 = arith.constant 16 : i32
      %mul3A_242 = arith.muli %scan3A_233, %mul3A_241 : i32
      %swap3A = arith.index_cast %mul3A_242 : i32 to index
      %swap3A_243 = tpu.vector_load %arg16[%swap3A] {strides = array<i32>} : memref<2048xi32, #tpu.memory_space<vmem>>, vector<16xi32>,
      tpu.vector_store %arg16[%swap3A], %add3A_240 {strides = array<i32>} : memref<2048xi32, #tpu.memory_space<vmem>>, vector<16xi32>,
      %scan3A_244 = arith.constant 0 : i32
      scf.yield %scan3A_244 : i32
    }
    %scan3A_98 = arith.constant 128 : i32
    %scan3A_99 = arith.constant 0 : i32
    %scan3A_100 = arith.constant 0 : i32
    %scan3A_101 = arith.constant 32 : i32
    %scan3A_102 = arith.addi %scan3A_100, %scan3A_101 : i32
    %scan3A_103 = arith.constant 1 : i32
    %scan3A_104 = scf.for %scan3A_233 = %scan3A_100 to %scan3A_102 step %scan3A_103 iter_args(%scan3A_234 = %scan3A_99) -> (i32)  : i32 {
      %broadcast_in_dim3A = arith.constant 0.000000e+00 : f32
      %broadcast_in_dim3A_235 = vector.broadcast %broadcast_in_dim3A : f32 to vector<16xf32>
      %mul3A_236 = arith.constant 16 : i32
      %mul3A_237 = arith.muli %scan3A_233, %mul3A_236 : i32
      %swap3A = arith.index_cast %mul3A_237 : i32 to index
      %swap3A_238 = tpu.vector_load %arg17[%swap3A] {strides = array<i32>} : memref<512xf32, #tpu.memory_space<vmem>>, vector<16xf32>,
      tpu.vector_store %arg17[%swap3A], %broadcast_in_dim3A_235 {strides = array<i32>} : memref<512xf32, #tpu.memory_space<vmem>>, vector<16xf32>,
      %scan3A_239 = arith.constant 0 : i32
      scf.yield %scan3A_239 : i32
    }
    %scan3A_105 = arith.constant 32 : i32
    %mul3A_106 = arith.constant 512 : i32
    %mul3A_107 = arith.muli %arg1, %mul3A_106 : i32
    "tpu.region"() ({
      %run_scoped3A = tpu.sem_alloc : memref<!tpu.dma_semaphore, #tpu.memory_space<semaphore_mem>>
      %dma_start3A_233 = tpu.memref_slice %arg19[%mul3A_107] : memref<8192xf32, #tpu.memory_space<vmem_shared>> -> memref<512xf32, #tpu.memory_space<vmem_shared>>
      %dma_start3A_234 = tpu.memref_slice %arg19[%mul3A_107] : memref<8192xf32, #tpu.memory_space<vmem_shared>> -> memref<512xf32, #tpu.memory_space<vmem_shared>>
      tpu.enqueue_dma source(%arg17 : memref<512xf32, #tpu.memory_space<vmem>>) target(%dma_start3A_234 : memref<512xf32, #tpu.memory_space<vmem_shared>>) target_semaphore(%run_scoped3A : memref<!tpu.dma_semaphore, #tpu.memory_space<semaphore_mem>>)
      %dma_wait3A_235 = tpu.memref_slice %arg19[%mul3A_107] : memref<8192xf32, #tpu.memory_space<vmem_shared>> -> memref<512xf32, #tpu.memory_space<vmem_shared>>
      %dma_wait3A_236 = tpu.memref_slice %arg19[%mul3A_107] : memref<8192xf32, #tpu.memory_space<vmem_shared>> -> memref<512xf32, #tpu.memory_space<vmem_shared>>
      tpu.wait_dma2 semaphore(%run_scoped3A : memref<!tpu.dma_semaphore, #tpu.memory_space<semaphore_mem>>) src(%arg17 : memref<512xf32, #tpu.memory_space<vmem>>) dst(%dma_wait3A_236 : memref<512xf32, #tpu.memory_space<vmem_shared>>)
      tpu.yield
    }) : () -> ()
    %barrier3A = arith.constant 0 : index
    tpu.barrier barrier_id(%barrier3A)
    %mul3A_108 = arith.constant 8192 : i32
    %mul3A_109 = arith.muli %arg0, %mul3A_108 : i32
    %dma_wait3A = tpu.memref_slice %arg2[%select_n3A, %mul3A_109] : memref<26x16384xi32, #tpu.memory_space<hbm>> -> memref<1x8192xi32, #tpu.memory_space<hbm>>
    %dma_wait3A_110 = tpu.memref_slice %arg2[%select_n3A, %mul3A_109] : memref<26x16384xi32, #tpu.memory_space<hbm>> -> memref<1x8192xi32, #tpu.memory_space<hbm>>
    tpu.wait_dma2 semaphore(%arg20 : memref<!tpu.dma_semaphore, #tpu.memory_space<semaphore_mem>>) src(%dma_wait3A_110 : memref<1x8192xi32, #tpu.memory_space<hbm>>) dst(%arg7 : memref<1x8192xi32, #tpu.memory_space<vmem>>)
    %dma_wait3A_111 = arith.constant 0 : i32
    %dma_wait3A_112 = tpu.memref_slice %arg3[%multiple_of3A, %dma_wait3A_111] : memref<7808x128xf32, #tpu.memory_space<hbm>> -> memref<312x128xf32, #tpu.memory_space<hbm>>
    %dma_wait3A_113 = arith.constant 0 : i32
    %dma_wait3A_114 = tpu.memref_slice %arg3[%multiple_of3A, %dma_wait3A_113] : memref<7808x128xf32, #tpu.memory_space<hbm>> -> memref<312x128xf32, #tpu.memory_space<hbm>>
    tpu.wait_dma2 semaphore(%arg20 : memref<!tpu.dma_semaphore, #tpu.memory_space<semaphore_mem>>) src(%dma_wait3A_114 : memref<312x128xf32, #tpu.memory_space<hbm>>) dst(%arg9 : memref<312x128xf32, #tpu.memory_space<vmem>>)
    tpu.wait_dma2 semaphore(%arg20 : memref<!tpu.dma_semaphore, #tpu.memory_space<semaphore_mem>>) src(%arg5 : memref<16xf32, #tpu.memory_space<hbm>>) dst(%arg18 : memref<16xf32, #tpu.memory_space<vmem>>)
    %eq3A_115 = arith.constant 15 : i32
    %eq3A_116 = arith.cmpi eq, %arg1, %eq3A_115 : i32
    %convert_element_type3A_117 = arith.extui %eq3A_116 : i1 to i32
    %cond3A_118 = arith.constant 0 : i32
    %cond3A_119 = arith.cmpi ne, %convert_element_type3A_117, %cond3A_118 : i32
    scf.if %cond3A_119 {
      tpu.wait_dma2 semaphore(%arg20 : memref<!tpu.dma_semaphore, #tpu.memory_space<semaphore_mem>>) src(%arg4 : memref<588xf32, #tpu.memory_space<hbm>>) dst(%arg11 : memref<588xf32, #tpu.memory_space<vmem>>)
    } else {
    }
    %mul3A_120 = arith.constant 38462 : i32
    %mul3A_121 = arith.muli %select_n3A, %mul3A_120 : i32
    %mul3A_122 = arith.constant 128 : i32
    %mul3A_123 = arith.muli %multiple_of3A, %mul3A_122 : i32
    %sub3A_124 = arith.subi %mul3A_121, %mul3A_123 : i32
    %mul3A_125 = arith.constant 38462 : i32
    %mul3A_126 = arith.muli %add3A_6, %mul3A_125 : i32
    %mul3A_127 = arith.constant 128 : i32
    %mul3A_128 = arith.muli %multiple_of3A_59, %mul3A_127 : i32
    %sub3A_129 = arith.subi %mul3A_126, %mul3A_128 : i32
    %lt3A_130 = arith.constant 15 : i32
    %lt3A_131 = arith.cmpi slt, %arg1, %lt3A_130 : i32
    %convert_element_type3A_132 = arith.extui %lt3A_131 : i1 to i32
    %cond3A_133 = arith.constant 0 : i32
    %cond3A_134 = arith.cmpi ne, %convert_element_type3A_132, %cond3A_133 : i32
    scf.if %cond3A_134 {
      %scan3A_233 = arith.constant 0 : i32
      %scan3A_234 = arith.constant 0 : i32
      %scan3A_235 = arith.constant 64 : i32
      %scan3A_236 = arith.addi %scan3A_234, %scan3A_235 : i32
      %scan3A_237 = arith.constant 1 : i32
      %scan3A_238 = scf.for %scan3A_240 = %scan3A_234 to %scan3A_236 step %scan3A_237 iter_args(%scan3A_241 = %scan3A_233) -> (i32)  : i32 {
        %mul3A_242 = arith.constant 2 : i32
        %mul3A_243 = arith.muli %scan3A_240, %mul3A_242 : i32
        %mul3A_244 = arith.constant 16 : i32
        %mul3A_245 = arith.muli %mul3A_243, %mul3A_244 : i32
        %add3A_246 = arith.constant 0 : i32
        %add3A_247 = arith.addi %add3A_246, %mul3A_245 : i32
        %get3A_248 = arith.constant 0 : i32
        %get3A_249 = arith.index_cast %get3A_248 : i32 to index
        %get3A_250 = arith.index_cast %add3A_247 : i32 to index
        %get3A_251 = tpu.vector_load %arg7[%get3A_249, %get3A_250] {strides = array<i32>} : memref<1x8192xi32, #tpu.memory_space<vmem>>, vector<16xi32>,
        %add3A_252 = vector.broadcast %sub3A_124 : i32 to vector<16xi32>
        %add3A_253 = arith.addi %get3A_251, %add3A_252 : vector<16xi32>
        %shift_right_logical3A = arith.constant 7 : i32
        %shift_right_logical3A_254 = vector.broadcast %shift_right_logical3A : i32 to vector<16xi32>
        %shift_right_logical3A_255 = arith.shrui %add3A_253, %shift_right_logical3A_254 : vector<16xi32>
        %and3A_256 = arith.constant 127 : i32
        %and3A_257 = vector.broadcast %and3A_256 : i32 to vector<16xi32>
        %and3A_258 = arith.andi %add3A_253, %and3A_257 : vector<16xi32>
        %gather3A = tpu.vector_load_idx %arg9[%shift_right_logical3A_255, %and3A_258] : memref<312x128xf32, #tpu.memory_space<vmem>>[vector<16xi32>, vector<16xi32>], vector<16xf32>,
        %swap3A = arith.index_cast %add3A_247 : i32 to index
        %swap3A_259 = tpu.vector_load %arg12[%swap3A] {strides = array<i32>} : memref<8192xf32, #tpu.memory_space<vmem>>, vector<16xf32>,
        tpu.vector_store %arg12[%swap3A], %gather3A {strides = array<i32>} : memref<8192xf32, #tpu.memory_space<vmem>>, vector<16xf32>,
        %mul3A_260 = arith.constant 2 : i32
        %mul3A_261 = arith.muli %scan3A_240, %mul3A_260 : i32
        %mul3A_262 = arith.constant 16 : i32
        %mul3A_263 = arith.muli %mul3A_261, %mul3A_262 : i32
        %add3A_264 = arith.constant 0 : i32
        %add3A_265 = arith.addi %add3A_264, %mul3A_263 : i32
        %add3A_266 = arith.constant 16 : i32
        %add3A_267 = arith.addi %add3A_265, %add3A_266 : i32
        %get3A_268 = arith.constant 0 : i32
        %get3A_269 = arith.index_cast %get3A_268 : i32 to index
        %get3A_270 = arith.index_cast %add3A_267 : i32 to index
        %get3A_271 = tpu.vector_load %arg7[%get3A_269, %get3A_270] {strides = array<i32>} : memref<1x8192xi32, #tpu.memory_space<vmem>>, vector<16xi32>,
        %add3A_272 = vector.broadcast %sub3A_124 : i32 to vector<16xi32>
        %add3A_273 = arith.addi %get3A_271, %add3A_272 : vector<16xi32>
        %shift_right_logical3A_274 = arith.constant 7 : i32
        %shift_right_logical3A_275 = vector.broadcast %shift_right_logical3A_274 : i32 to vector<16xi32>
        %shift_right_logical3A_276 = arith.shrui %add3A_273, %shift_right_logical3A_275 : vector<16xi32>
        %and3A_277 = arith.constant 127 : i32
        %and3A_278 = vector.broadcast %and3A_277 : i32 to vector<16xi32>
        %and3A_279 = arith.andi %add3A_273, %and3A_278 : vector<16xi32>
        %gather3A_280 = tpu.vector_load_idx %arg9[%shift_right_logical3A_276, %and3A_279] : memref<312x128xf32, #tpu.memory_space<vmem>>[vector<16xi32>, vector<16xi32>], vector<16xf32>,
        %swap3A_281 = arith.index_cast %add3A_267 : i32 to index
        %swap3A_282 = tpu.vector_load %arg12[%swap3A_281] {strides = array<i32>} : memref<8192xf32, #tpu.memory_space<vmem>>, vector<16xf32>,
        tpu.vector_store %arg12[%swap3A_281], %gather3A_280 {strides = array<i32>} : memref<8192xf32, #tpu.memory_space<vmem>>, vector<16xf32>,
        %scan3A_283 = arith.constant 0 : i32
        scf.yield %scan3A_283 : i32
      }
      %scan3A_239 = arith.constant 64 : i32
    } else {
    }
    %eq3A_135 = arith.constant 15 : i32
    %eq3A_136 = arith.cmpi eq, %arg1, %eq3A_135 : i32
    %convert_element_type3A_137 = arith.extui %eq3A_136 : i1 to i32
    %cond3A_138 = arith.constant 0 : i32
    %cond3A_139 = arith.cmpi ne, %convert_element_type3A_137, %cond3A_138 : i32
    scf.if %cond3A_139 {
      %mul3A_233 = arith.constant 128 : i32
      %mul3A_234 = arith.muli %multiple_of3A, %mul3A_233 : i32
      %sub3A_235 = arith.constant 961550 : i32
      %sub3A_236 = arith.subi %sub3A_235, %mul3A_234 : i32
      %scan3A_237 = arith.constant 0 : i32
      %scan3A_238 = arith.constant 0 : i32
      %scan3A_239 = arith.constant 64 : i32
      %scan3A_240 = arith.addi %scan3A_238, %scan3A_239 : i32
      %scan3A_241 = arith.constant 1 : i32
      %scan3A_242 = scf.for %scan3A_244 = %scan3A_238 to %scan3A_240 step %scan3A_241 iter_args(%scan3A_245 = %scan3A_237) -> (i32)  : i32 {
        %mul3A_246 = arith.constant 2 : i32
        %mul3A_247 = arith.muli %scan3A_244, %mul3A_246 : i32
        %mul3A_248 = arith.constant 16 : i32
        %mul3A_249 = arith.muli %mul3A_247, %mul3A_248 : i32
        %add3A_250 = arith.constant 0 : i32
        %add3A_251 = arith.addi %add3A_250, %mul3A_249 : i32
        %get3A_252 = arith.constant 0 : i32
        %get3A_253 = arith.index_cast %get3A_252 : i32 to index
        %get3A_254 = arith.index_cast %add3A_251 : i32 to index
        %get3A_255 = tpu.vector_load %arg7[%get3A_253, %get3A_254] {strides = array<i32>} : memref<1x8192xi32, #tpu.memory_space<vmem>>, vector<16xi32>,
        %add3A_256 = vector.broadcast %sub3A_236 : i32 to vector<16xi32>
        %add3A_257 = arith.addi %get3A_255, %add3A_256 : vector<16xi32>
        %shift_right_logical3A = arith.constant 7 : i32
        %shift_right_logical3A_258 = vector.broadcast %shift_right_logical3A : i32 to vector<16xi32>
        %shift_right_logical3A_259 = arith.shrui %add3A_257, %shift_right_logical3A_258 : vector<16xi32>
        %and3A_260 = arith.constant 127 : i32
        %and3A_261 = vector.broadcast %and3A_260 : i32 to vector<16xi32>
        %and3A_262 = arith.andi %add3A_257, %and3A_261 : vector<16xi32>
        %gather3A = tpu.vector_load_idx %arg9[%shift_right_logical3A_259, %and3A_262] : memref<312x128xf32, #tpu.memory_space<vmem>>[vector<16xi32>, vector<16xi32>], vector<16xf32>,
        %sub3A_263 = arith.constant 39936 : i32
        %sub3A_264 = vector.broadcast %sub3A_263 : i32 to vector<16xi32>
        %sub3A_265 = arith.subi %add3A_257, %sub3A_264 : vector<16xi32>
        %jit3A_266 = arith.constant 0 : i32
        %jit3A_267 = arith.constant 587 : i32
        %max3A = vector.broadcast %jit3A_266 : i32 to vector<16xi32>
        %max3A_268 = arith.maxsi %max3A, %sub3A_265 : vector<16xi32>
        %min3A_269 = vector.broadcast %jit3A_267 : i32 to vector<16xi32>
        %min3A_270 = arith.minsi %min3A_269, %max3A_268 : vector<16xi32>
        %gather3A_271 = tpu.vector_load_idx %arg11[%min3A_270] : memref<588xf32, #tpu.memory_space<vmem>>[vector<16xi32>], vector<16xf32>,
        %ge3A = arith.constant 39936 : i32
        %ge3A_272 = vector.broadcast %ge3A : i32 to vector<16xi32>
        %ge3A_273 = arith.cmpi sge, %add3A_257, %ge3A_272 : vector<16xi32>
        %select_n3A_274 = arith.select %ge3A_273, %gather3A_271, %gather3A : vector<16xi1>, vector<16xf32>
        %swap3A = arith.index_cast %add3A_251 : i32 to index
        %swap3A_275 = tpu.vector_load %arg12[%swap3A] {strides = array<i32>} : memref<8192xf32, #tpu.memory_space<vmem>>, vector<16xf32>,
        tpu.vector_store %arg12[%swap3A], %select_n3A_274 {strides = array<i32>} : memref<8192xf32, #tpu.memory_space<vmem>>, vector<16xf32>,
        %mul3A_276 = arith.constant 2 : i32
        %mul3A_277 = arith.muli %scan3A_244, %mul3A_276 : i32
        %mul3A_278 = arith.constant 16 : i32
        %mul3A_279 = arith.muli %mul3A_277, %mul3A_278 : i32
        %add3A_280 = arith.constant 0 : i32
        %add3A_281 = arith.addi %add3A_280, %mul3A_279 : i32
        %add3A_282 = arith.constant 16 : i32
        %add3A_283 = arith.addi %add3A_281, %add3A_282 : i32
        %get3A_284 = arith.constant 0 : i32
        %get3A_285 = arith.index_cast %get3A_284 : i32 to index
        %get3A_286 = arith.index_cast %add3A_283 : i32 to index
        %get3A_287 = tpu.vector_load %arg7[%get3A_285, %get3A_286] {strides = array<i32>} : memref<1x8192xi32, #tpu.memory_space<vmem>>, vector<16xi32>,
        %add3A_288 = vector.broadcast %sub3A_236 : i32 to vector<16xi32>
        %add3A_289 = arith.addi %get3A_287, %add3A_288 : vector<16xi32>
        %shift_right_logical3A_290 = arith.constant 7 : i32
        %shift_right_logical3A_291 = vector.broadcast %shift_right_logical3A_290 : i32 to vector<16xi32>
        %shift_right_logical3A_292 = arith.shrui %add3A_289, %shift_right_logical3A_291 : vector<16xi32>
        %and3A_293 = arith.constant 127 : i32
        %and3A_294 = vector.broadcast %and3A_293 : i32 to vector<16xi32>
        %and3A_295 = arith.andi %add3A_289, %and3A_294 : vector<16xi32>
        %gather3A_296 = tpu.vector_load_idx %arg9[%shift_right_logical3A_292, %and3A_295] : memref<312x128xf32, #tpu.memory_space<vmem>>[vector<16xi32>, vector<16xi32>], vector<16xf32>,
        %sub3A_297 = arith.constant 39936 : i32
        %sub3A_298 = vector.broadcast %sub3A_297 : i32 to vector<16xi32>
        %sub3A_299 = arith.subi %add3A_289, %sub3A_298 : vector<16xi32>
        %jit3A_300 = arith.constant 0 : i32
        %jit3A_301 = arith.constant 587 : i32
        %max3A_302 = vector.broadcast %jit3A_300 : i32 to vector<16xi32>
        %max3A_303 = arith.maxsi %max3A_302, %sub3A_299 : vector<16xi32>
        %min3A_304 = vector.broadcast %jit3A_301 : i32 to vector<16xi32>
        %min3A_305 = arith.minsi %min3A_304, %max3A_303 : vector<16xi32>
        %gather3A_306 = tpu.vector_load_idx %arg11[%min3A_305] : memref<588xf32, #tpu.memory_space<vmem>>[vector<16xi32>], vector<16xf32>,
        %ge3A_307 = arith.constant 39936 : i32
        %ge3A_308 = vector.broadcast %ge3A_307 : i32 to vector<16xi32>
        %ge3A_309 = arith.cmpi sge, %add3A_289, %ge3A_308 : vector<16xi32>
        %select_n3A_310 = arith.select %ge3A_309, %gather3A_306, %gather3A_296 : vector<16xi1>, vector<16xf32>
        %swap3A_311 = arith.index_cast %add3A_283 : i32 to index
        %swap3A_312 = tpu.vector_load %arg12[%swap3A_311] {strides = array<i32>} : memref<8192xf32, #tpu.memory_space<vmem>>, vector<16xf32>,
        tpu.vector_store %arg12[%swap3A_311], %select_n3A_310 {strides = array<i32>} : memref<8192xf32, #tpu.memory_space<vmem>>, vector<16xf32>,
        %scan3A_313 = arith.constant 0 : i32
        scf.yield %scan3A_313 : i32
      }
      %scan3A_243 = arith.constant 64 : i32
    } else {
    }
    %lt3A_140 = arith.constant 15 : i32
    %lt3A_141 = arith.cmpi slt, %arg1, %lt3A_140 : i32
    %convert_element_type3A_142 = arith.extui %lt3A_141 : i1 to i32
    %cond3A_143 = arith.constant 0 : i32
    %cond3A_144 = arith.cmpi ne, %convert_element_type3A_142, %cond3A_143 : i32
    scf.if %cond3A_144 {
      %scan3A_233 = arith.constant 0 : i32
      %scan3A_234 = arith.constant 0 : i32
      %scan3A_235 = arith.constant 64 : i32
      %scan3A_236 = arith.addi %scan3A_234, %scan3A_235 : i32
      %scan3A_237 = arith.constant 1 : i32
      %scan3A_238 = scf.for %scan3A_240 = %scan3A_234 to %scan3A_236 step %scan3A_237 iter_args(%scan3A_241 = %scan3A_233) -> (i32)  : i32 {
        %mul3A_242 = arith.constant 2 : i32
        %mul3A_243 = arith.muli %scan3A_240, %mul3A_242 : i32
        %mul3A_244 = arith.constant 16 : i32
        %mul3A_245 = arith.muli %mul3A_243, %mul3A_244 : i32
        %add3A_246 = arith.constant 2048 : i32
        %add3A_247 = arith.addi %add3A_246, %mul3A_245 : i32
        %get3A_248 = arith.constant 0 : i32
        %get3A_249 = arith.index_cast %get3A_248 : i32 to index
        %get3A_250 = arith.index_cast %add3A_247 : i32 to index
        %get3A_251 = tpu.vector_load %arg7[%get3A_249, %get3A_250] {strides = array<i32>} : memref<1x8192xi32, #tpu.memory_space<vmem>>, vector<16xi32>,
        %add3A_252 = vector.broadcast %sub3A_124 : i32 to vector<16xi32>
        %add3A_253 = arith.addi %get3A_251, %add3A_252 : vector<16xi32>
        %shift_right_logical3A = arith.constant 7 : i32
        %shift_right_logical3A_254 = vector.broadcast %shift_right_logical3A : i32 to vector<16xi32>
        %shift_right_logical3A_255 = arith.shrui %add3A_253, %shift_right_logical3A_254 : vector<16xi32>
        %and3A_256 = arith.constant 127 : i32
        %and3A_257 = vector.broadcast %and3A_256 : i32 to vector<16xi32>
        %and3A_258 = arith.andi %add3A_253, %and3A_257 : vector<16xi32>
        %gather3A = tpu.vector_load_idx %arg9[%shift_right_logical3A_255, %and3A_258] : memref<312x128xf32, #tpu.memory_space<vmem>>[vector<16xi32>, vector<16xi32>], vector<16xf32>,
        %swap3A = arith.index_cast %add3A_247 : i32 to index
        %swap3A_259 = tpu.vector_load %arg12[%swap3A] {strides = array<i32>} : memref<8192xf32, #tpu.memory_space<vmem>>, vector<16xf32>,
        tpu.vector_store %arg12[%swap3A], %gather3A {strides = array<i32>} : memref<8192xf32, #tpu.memory_space<vmem>>, vector<16xf32>,
        %mul3A_260 = arith.constant 2 : i32
        %mul3A_261 = arith.muli %scan3A_240, %mul3A_260 : i32
        %mul3A_262 = arith.constant 16 : i32
        %mul3A_263 = arith.muli %mul3A_261, %mul3A_262 : i32
        %add3A_264 = arith.constant 2048 : i32
        %add3A_265 = arith.addi %add3A_264, %mul3A_263 : i32
        %add3A_266 = arith.constant 16 : i32
        %add3A_267 = arith.addi %add3A_265, %add3A_266 : i32
        %get3A_268 = arith.constant 0 : i32
        %get3A_269 = arith.index_cast %get3A_268 : i32 to index
        %get3A_270 = arith.index_cast %add3A_267 : i32 to index
        %get3A_271 = tpu.vector_load %arg7[%get3A_269, %get3A_270] {strides = array<i32>} : memref<1x8192xi32, #tpu.memory_space<vmem>>, vector<16xi32>,
        %add3A_272 = vector.broadcast %sub3A_124 : i32 to vector<16xi32>
        %add3A_273 = arith.addi %get3A_271, %add3A_272 : vector<16xi32>
        %shift_right_logical3A_274 = arith.constant 7 : i32
        %shift_right_logical3A_275 = vector.broadcast %shift_right_logical3A_274 : i32 to vector<16xi32>
        %shift_right_logical3A_276 = arith.shrui %add3A_273, %shift_right_logical3A_275 : vector<16xi32>
        %and3A_277 = arith.constant 127 : i32
        %and3A_278 = vector.broadcast %and3A_277 : i32 to vector<16xi32>
        %and3A_279 = arith.andi %add3A_273, %and3A_278 : vector<16xi32>
        %gather3A_280 = tpu.vector_load_idx %arg9[%shift_right_logical3A_276, %and3A_279] : memref<312x128xf32, #tpu.memory_space<vmem>>[vector<16xi32>, vector<16xi32>], vector<16xf32>,
        %swap3A_281 = arith.index_cast %add3A_267 : i32 to index
        %swap3A_282 = tpu.vector_load %arg12[%swap3A_281] {strides = array<i32>} : memref<8192xf32, #tpu.memory_space<vmem>>, vector<16xf32>,
        tpu.vector_store %arg12[%swap3A_281], %gather3A_280 {strides = array<i32>} : memref<8192xf32, #tpu.memory_space<vmem>>, vector<16xf32>,
        %scan3A_283 = arith.constant 0 : i32
        scf.yield %scan3A_283 : i32
      }
      %scan3A_239 = arith.constant 64 : i32
    } else {
    }
    %eq3A_145 = arith.constant 15 : i32
    %eq3A_146 = arith.cmpi eq, %arg1, %eq3A_145 : i32
    %convert_element_type3A_147 = arith.extui %eq3A_146 : i1 to i32
    %cond3A_148 = arith.constant 0 : i32
    %cond3A_149 = arith.cmpi ne, %convert_element_type3A_147, %cond3A_148 : i32
    scf.if %cond3A_149 {
      %mul3A_233 = arith.constant 128 : i32
      %mul3A_234 = arith.muli %multiple_of3A, %mul3A_233 : i32
      %sub3A_235 = arith.constant 961550 : i32
      %sub3A_236 = arith.subi %sub3A_235, %mul3A_234 : i32
      %scan3A_237 = arith.constant 0 : i32
      %scan3A_238 = arith.constant 0 : i32
      %scan3A_239 = arith.constant 64 : i32
      %scan3A_240 = arith.addi %scan3A_238, %scan3A_239 : i32
      %scan3A_241 = arith.constant 1 : i32
      %scan3A_242 = scf.for %scan3A_244 = %scan3A_238 to %scan3A_240 step %scan3A_241 iter_args(%scan3A_245 = %scan3A_237) -> (i32)  : i32 {
        %mul3A_246 = arith.constant 2 : i32
        %mul3A_247 = arith.muli %scan3A_244, %mul3A_246 : i32
        %mul3A_248 = arith.constant 16 : i32
        %mul3A_249 = arith.muli %mul3A_247, %mul3A_248 : i32
        %add3A_250 = arith.constant 2048 : i32
        %add3A_251 = arith.addi %add3A_250, %mul3A_249 : i32
        %get3A_252 = arith.constant 0 : i32
        %get3A_253 = arith.index_cast %get3A_252 : i32 to index
        %get3A_254 = arith.index_cast %add3A_251 : i32 to index
        %get3A_255 = tpu.vector_load %arg7[%get3A_253, %get3A_254] {strides = array<i32>} : memref<1x8192xi32, #tpu.memory_space<vmem>>, vector<16xi32>,
        %add3A_256 = vector.broadcast %sub3A_236 : i32 to vector<16xi32>
        %add3A_257 = arith.addi %get3A_255, %add3A_256 : vector<16xi32>
        %shift_right_logical3A = arith.constant 7 : i32
        %shift_right_logical3A_258 = vector.broadcast %shift_right_logical3A : i32 to vector<16xi32>
        %shift_right_logical3A_259 = arith.shrui %add3A_257, %shift_right_logical3A_258 : vector<16xi32>
        %and3A_260 = arith.constant 127 : i32
        %and3A_261 = vector.broadcast %and3A_260 : i32 to vector<16xi32>
        %and3A_262 = arith.andi %add3A_257, %and3A_261 : vector<16xi32>
        %gather3A = tpu.vector_load_idx %arg9[%shift_right_logical3A_259, %and3A_262] : memref<312x128xf32, #tpu.memory_space<vmem>>[vector<16xi32>, vector<16xi32>], vector<16xf32>,
        %sub3A_263 = arith.constant 39936 : i32
        %sub3A_264 = vector.broadcast %sub3A_263 : i32 to vector<16xi32>
        %sub3A_265 = arith.subi %add3A_257, %sub3A_264 : vector<16xi32>
        %jit3A_266 = arith.constant 0 : i32
        %jit3A_267 = arith.constant 587 : i32
        %max3A = vector.broadcast %jit3A_266 : i32 to vector<16xi32>
        %max3A_268 = arith.maxsi %max3A, %sub3A_265 : vector<16xi32>
        %min3A_269 = vector.broadcast %jit3A_267 : i32 to vector<16xi32>
        %min3A_270 = arith.minsi %min3A_269, %max3A_268 : vector<16xi32>
        %gather3A_271 = tpu.vector_load_idx %arg11[%min3A_270] : memref<588xf32, #tpu.memory_space<vmem>>[vector<16xi32>], vector<16xf32>,
        %ge3A = arith.constant 39936 : i32
        %ge3A_272 = vector.broadcast %ge3A : i32 to vector<16xi32>
        %ge3A_273 = arith.cmpi sge, %add3A_257, %ge3A_272 : vector<16xi32>
        %select_n3A_274 = arith.select %ge3A_273, %gather3A_271, %gather3A : vector<16xi1>, vector<16xf32>
        %swap3A = arith.index_cast %add3A_251 : i32 to index
        %swap3A_275 = tpu.vector_load %arg12[%swap3A] {strides = array<i32>} : memref<8192xf32, #tpu.memory_space<vmem>>, vector<16xf32>,
        tpu.vector_store %arg12[%swap3A], %select_n3A_274 {strides = array<i32>} : memref<8192xf32, #tpu.memory_space<vmem>>, vector<16xf32>,
        %mul3A_276 = arith.constant 2 : i32
        %mul3A_277 = arith.muli %scan3A_244, %mul3A_276 : i32
        %mul3A_278 = arith.constant 16 : i32
        %mul3A_279 = arith.muli %mul3A_277, %mul3A_278 : i32
        %add3A_280 = arith.constant 2048 : i32
        %add3A_281 = arith.addi %add3A_280, %mul3A_279 : i32
        %add3A_282 = arith.constant 16 : i32
        %add3A_283 = arith.addi %add3A_281, %add3A_282 : i32
        %get3A_284 = arith.constant 0 : i32
        %get3A_285 = arith.index_cast %get3A_284 : i32 to index
        %get3A_286 = arith.index_cast %add3A_283 : i32 to index
        %get3A_287 = tpu.vector_load %arg7[%get3A_285, %get3A_286] {strides = array<i32>} : memref<1x8192xi32, #tpu.memory_space<vmem>>, vector<16xi32>,
        %add3A_288 = vector.broadcast %sub3A_236 : i32 to vector<16xi32>
        %add3A_289 = arith.addi %get3A_287, %add3A_288 : vector<16xi32>
        %shift_right_logical3A_290 = arith.constant 7 : i32
        %shift_right_logical3A_291 = vector.broadcast %shift_right_logical3A_290 : i32 to vector<16xi32>
        %shift_right_logical3A_292 = arith.shrui %add3A_289, %shift_right_logical3A_291 : vector<16xi32>
        %and3A_293 = arith.constant 127 : i32
        %and3A_294 = vector.broadcast %and3A_293 : i32 to vector<16xi32>
        %and3A_295 = arith.andi %add3A_289, %and3A_294 : vector<16xi32>
        %gather3A_296 = tpu.vector_load_idx %arg9[%shift_right_logical3A_292, %and3A_295] : memref<312x128xf32, #tpu.memory_space<vmem>>[vector<16xi32>, vector<16xi32>], vector<16xf32>,
        %sub3A_297 = arith.constant 39936 : i32
        %sub3A_298 = vector.broadcast %sub3A_297 : i32 to vector<16xi32>
        %sub3A_299 = arith.subi %add3A_289, %sub3A_298 : vector<16xi32>
        %jit3A_300 = arith.constant 0 : i32
        %jit3A_301 = arith.constant 587 : i32
        %max3A_302 = vector.broadcast %jit3A_300 : i32 to vector<16xi32>
        %max3A_303 = arith.maxsi %max3A_302, %sub3A_299 : vector<16xi32>
        %min3A_304 = vector.broadcast %jit3A_301 : i32 to vector<16xi32>
        %min3A_305 = arith.minsi %min3A_304, %max3A_303 : vector<16xi32>
        %gather3A_306 = tpu.vector_load_idx %arg11[%min3A_305] : memref<588xf32, #tpu.memory_space<vmem>>[vector<16xi32>], vector<16xf32>,
        %ge3A_307 = arith.constant 39936 : i32
        %ge3A_308 = vector.broadcast %ge3A_307 : i32 to vector<16xi32>
        %ge3A_309 = arith.cmpi sge, %add3A_289, %ge3A_308 : vector<16xi32>
        %select_n3A_310 = arith.select %ge3A_309, %gather3A_306, %gather3A_296 : vector<16xi1>, vector<16xf32>
        %swap3A_311 = arith.index_cast %add3A_283 : i32 to index
        %swap3A_312 = tpu.vector_load %arg12[%swap3A_311] {strides = array<i32>} : memref<8192xf32, #tpu.memory_space<vmem>>, vector<16xf32>,
        tpu.vector_store %arg12[%swap3A_311], %select_n3A_310 {strides = array<i32>} : memref<8192xf32, #tpu.memory_space<vmem>>, vector<16xf32>,
        %scan3A_313 = arith.constant 0 : i32
        scf.yield %scan3A_313 : i32
      }
      %scan3A_243 = arith.constant 64 : i32
    } else {
    }
    %lt3A_150 = arith.constant 15 : i32
    %lt3A_151 = arith.cmpi slt, %arg1, %lt3A_150 : i32
    %convert_element_type3A_152 = arith.extui %lt3A_151 : i1 to i32
    %cond3A_153 = arith.constant 0 : i32
    %cond3A_154 = arith.cmpi ne, %convert_element_type3A_152, %cond3A_153 : i32
    scf.if %cond3A_154 {
      %scan3A_233 = arith.constant 0 : i32
      %scan3A_234 = arith.constant 0 : i32
      %scan3A_235 = arith.constant 64 : i32
      %scan3A_236 = arith.addi %scan3A_234, %scan3A_235 : i32
      %scan3A_237 = arith.constant 1 : i32
      %scan3A_238 = scf.for %scan3A_240 = %scan3A_234 to %scan3A_236 step %scan3A_237 iter_args(%scan3A_241 = %scan3A_233) -> (i32)  : i32 {
        %mul3A_242 = arith.constant 2 : i32
        %mul3A_243 = arith.muli %scan3A_240, %mul3A_242 : i32
        %mul3A_244 = arith.constant 16 : i32
        %mul3A_245 = arith.muli %mul3A_243, %mul3A_244 : i32
        %add3A_246 = arith.constant 4096 : i32
        %add3A_247 = arith.addi %add3A_246, %mul3A_245 : i32
        %get3A_248 = arith.constant 0 : i32
        %get3A_249 = arith.index_cast %get3A_248 : i32 to index
        %get3A_250 = arith.index_cast %add3A_247 : i32 to index
        %get3A_251 = tpu.vector_load %arg7[%get3A_249, %get3A_250] {strides = array<i32>} : memref<1x8192xi32, #tpu.memory_space<vmem>>, vector<16xi32>,
        %add3A_252 = vector.broadcast %sub3A_124 : i32 to vector<16xi32>
        %add3A_253 = arith.addi %get3A_251, %add3A_252 : vector<16xi32>
        %shift_right_logical3A = arith.constant 7 : i32
        %shift_right_logical3A_254 = vector.broadcast %shift_right_logical3A : i32 to vector<16xi32>
        %shift_right_logical3A_255 = arith.shrui %add3A_253, %shift_right_logical3A_254 : vector<16xi32>
        %and3A_256 = arith.constant 127 : i32
        %and3A_257 = vector.broadcast %and3A_256 : i32 to vector<16xi32>
        %and3A_258 = arith.andi %add3A_253, %and3A_257 : vector<16xi32>
        %gather3A = tpu.vector_load_idx %arg9[%shift_right_logical3A_255, %and3A_258] : memref<312x128xf32, #tpu.memory_space<vmem>>[vector<16xi32>, vector<16xi32>], vector<16xf32>,
        %swap3A = arith.index_cast %add3A_247 : i32 to index
        %swap3A_259 = tpu.vector_load %arg12[%swap3A] {strides = array<i32>} : memref<8192xf32, #tpu.memory_space<vmem>>, vector<16xf32>,
        tpu.vector_store %arg12[%swap3A], %gather3A {strides = array<i32>} : memref<8192xf32, #tpu.memory_space<vmem>>, vector<16xf32>,
        %mul3A_260 = arith.constant 2 : i32
        %mul3A_261 = arith.muli %scan3A_240, %mul3A_260 : i32
        %mul3A_262 = arith.constant 16 : i32
        %mul3A_263 = arith.muli %mul3A_261, %mul3A_262 : i32
        %add3A_264 = arith.constant 4096 : i32
        %add3A_265 = arith.addi %add3A_264, %mul3A_263 : i32
        %add3A_266 = arith.constant 16 : i32
        %add3A_267 = arith.addi %add3A_265, %add3A_266 : i32
        %get3A_268 = arith.constant 0 : i32
        %get3A_269 = arith.index_cast %get3A_268 : i32 to index
        %get3A_270 = arith.index_cast %add3A_267 : i32 to index
        %get3A_271 = tpu.vector_load %arg7[%get3A_269, %get3A_270] {strides = array<i32>} : memref<1x8192xi32, #tpu.memory_space<vmem>>, vector<16xi32>,
        %add3A_272 = vector.broadcast %sub3A_124 : i32 to vector<16xi32>
        %add3A_273 = arith.addi %get3A_271, %add3A_272 : vector<16xi32>
        %shift_right_logical3A_274 = arith.constant 7 : i32
        %shift_right_logical3A_275 = vector.broadcast %shift_right_logical3A_274 : i32 to vector<16xi32>
        %shift_right_logical3A_276 = arith.shrui %add3A_273, %shift_right_logical3A_275 : vector<16xi32>
        %and3A_277 = arith.constant 127 : i32
        %and3A_278 = vector.broadcast %and3A_277 : i32 to vector<16xi32>
        %and3A_279 = arith.andi %add3A_273, %and3A_278 : vector<16xi32>
        %gather3A_280 = tpu.vector_load_idx %arg9[%shift_right_logical3A_276, %and3A_279] : memref<312x128xf32, #tpu.memory_space<vmem>>[vector<16xi32>, vector<16xi32>], vector<16xf32>,
        %swap3A_281 = arith.index_cast %add3A_267 : i32 to index
        %swap3A_282 = tpu.vector_load %arg12[%swap3A_281] {strides = array<i32>} : memref<8192xf32, #tpu.memory_space<vmem>>, vector<16xf32>,
        tpu.vector_store %arg12[%swap3A_281], %gather3A_280 {strides = array<i32>} : memref<8192xf32, #tpu.memory_space<vmem>>, vector<16xf32>,
        %scan3A_283 = arith.constant 0 : i32
        scf.yield %scan3A_283 : i32
      }
      %scan3A_239 = arith.constant 64 : i32
    } else {
    }
    %eq3A_155 = arith.constant 15 : i32
    %eq3A_156 = arith.cmpi eq, %arg1, %eq3A_155 : i32
    %convert_element_type3A_157 = arith.extui %eq3A_156 : i1 to i32
    %cond3A_158 = arith.constant 0 : i32
    %cond3A_159 = arith.cmpi ne, %convert_element_type3A_157, %cond3A_158 : i32
    scf.if %cond3A_159 {
      %mul3A_233 = arith.constant 128 : i32
      %mul3A_234 = arith.muli %multiple_of3A, %mul3A_233 : i32
      %sub3A_235 = arith.constant 961550 : i32
      %sub3A_236 = arith.subi %sub3A_235, %mul3A_234 : i32
      %scan3A_237 = arith.constant 0 : i32
      %scan3A_238 = arith.constant 0 : i32
      %scan3A_239 = arith.constant 64 : i32
      %scan3A_240 = arith.addi %scan3A_238, %scan3A_239 : i32
      %scan3A_241 = arith.constant 1 : i32
      %scan3A_242 = scf.for %scan3A_244 = %scan3A_238 to %scan3A_240 step %scan3A_241 iter_args(%scan3A_245 = %scan3A_237) -> (i32)  : i32 {
        %mul3A_246 = arith.constant 2 : i32
        %mul3A_247 = arith.muli %scan3A_244, %mul3A_246 : i32
        %mul3A_248 = arith.constant 16 : i32
        %mul3A_249 = arith.muli %mul3A_247, %mul3A_248 : i32
        %add3A_250 = arith.constant 4096 : i32
        %add3A_251 = arith.addi %add3A_250, %mul3A_249 : i32
        %get3A_252 = arith.constant 0 : i32
        %get3A_253 = arith.index_cast %get3A_252 : i32 to index
        %get3A_254 = arith.index_cast %add3A_251 : i32 to index
        %get3A_255 = tpu.vector_load %arg7[%get3A_253, %get3A_254] {strides = array<i32>} : memref<1x8192xi32, #tpu.memory_space<vmem>>, vector<16xi32>,
        %add3A_256 = vector.broadcast %sub3A_236 : i32 to vector<16xi32>
        %add3A_257 = arith.addi %get3A_255, %add3A_256 : vector<16xi32>
        %shift_right_logical3A = arith.constant 7 : i32
        %shift_right_logical3A_258 = vector.broadcast %shift_right_logical3A : i32 to vector<16xi32>
        %shift_right_logical3A_259 = arith.shrui %add3A_257, %shift_right_logical3A_258 : vector<16xi32>
        %and3A_260 = arith.constant 127 : i32
        %and3A_261 = vector.broadcast %and3A_260 : i32 to vector<16xi32>
        %and3A_262 = arith.andi %add3A_257, %and3A_261 : vector<16xi32>
        %gather3A = tpu.vector_load_idx %arg9[%shift_right_logical3A_259, %and3A_262] : memref<312x128xf32, #tpu.memory_space<vmem>>[vector<16xi32>, vector<16xi32>], vector<16xf32>,
        %sub3A_263 = arith.constant 39936 : i32
        %sub3A_264 = vector.broadcast %sub3A_263 : i32 to vector<16xi32>
        %sub3A_265 = arith.subi %add3A_257, %sub3A_264 : vector<16xi32>
        %jit3A_266 = arith.constant 0 : i32
        %jit3A_267 = arith.constant 587 : i32
        %max3A = vector.broadcast %jit3A_266 : i32 to vector<16xi32>
        %max3A_268 = arith.maxsi %max3A, %sub3A_265 : vector<16xi32>
        %min3A_269 = vector.broadcast %jit3A_267 : i32 to vector<16xi32>
        %min3A_270 = arith.minsi %min3A_269, %max3A_268 : vector<16xi32>
        %gather3A_271 = tpu.vector_load_idx %arg11[%min3A_270] : memref<588xf32, #tpu.memory_space<vmem>>[vector<16xi32>], vector<16xf32>,
        %ge3A = arith.constant 39936 : i32
        %ge3A_272 = vector.broadcast %ge3A : i32 to vector<16xi32>
        %ge3A_273 = arith.cmpi sge, %add3A_257, %ge3A_272 : vector<16xi32>
        %select_n3A_274 = arith.select %ge3A_273, %gather3A_271, %gather3A : vector<16xi1>, vector<16xf32>
        %swap3A = arith.index_cast %add3A_251 : i32 to index
        %swap3A_275 = tpu.vector_load %arg12[%swap3A] {strides = array<i32>} : memref<8192xf32, #tpu.memory_space<vmem>>, vector<16xf32>,
        tpu.vector_store %arg12[%swap3A], %select_n3A_274 {strides = array<i32>} : memref<8192xf32, #tpu.memory_space<vmem>>, vector<16xf32>,
        %mul3A_276 = arith.constant 2 : i32
        %mul3A_277 = arith.muli %scan3A_244, %mul3A_276 : i32
        %mul3A_278 = arith.constant 16 : i32
        %mul3A_279 = arith.muli %mul3A_277, %mul3A_278 : i32
        %add3A_280 = arith.constant 4096 : i32
        %add3A_281 = arith.addi %add3A_280, %mul3A_279 : i32
        %add3A_282 = arith.constant 16 : i32
        %add3A_283 = arith.addi %add3A_281, %add3A_282 : i32
        %get3A_284 = arith.constant 0 : i32
        %get3A_285 = arith.index_cast %get3A_284 : i32 to index
        %get3A_286 = arith.index_cast %add3A_283 : i32 to index
        %get3A_287 = tpu.vector_load %arg7[%get3A_285, %get3A_286] {strides = array<i32>} : memref<1x8192xi32, #tpu.memory_space<vmem>>, vector<16xi32>,
        %add3A_288 = vector.broadcast %sub3A_236 : i32 to vector<16xi32>
        %add3A_289 = arith.addi %get3A_287, %add3A_288 : vector<16xi32>
        %shift_right_logical3A_290 = arith.constant 7 : i32
        %shift_right_logical3A_291 = vector.broadcast %shift_right_logical3A_290 : i32 to vector<16xi32>
        %shift_right_logical3A_292 = arith.shrui %add3A_289, %shift_right_logical3A_291 : vector<16xi32>
        %and3A_293 = arith.constant 127 : i32
        %and3A_294 = vector.broadcast %and3A_293 : i32 to vector<16xi32>
        %and3A_295 = arith.andi %add3A_289, %and3A_294 : vector<16xi32>
        %gather3A_296 = tpu.vector_load_idx %arg9[%shift_right_logical3A_292, %and3A_295] : memref<312x128xf32, #tpu.memory_space<vmem>>[vector<16xi32>, vector<16xi32>], vector<16xf32>,
        %sub3A_297 = arith.constant 39936 : i32
        %sub3A_298 = vector.broadcast %sub3A_297 : i32 to vector<16xi32>
        %sub3A_299 = arith.subi %add3A_289, %sub3A_298 : vector<16xi32>
        %jit3A_300 = arith.constant 0 : i32
        %jit3A_301 = arith.constant 587 : i32
        %max3A_302 = vector.broadcast %jit3A_300 : i32 to vector<16xi32>
        %max3A_303 = arith.maxsi %max3A_302, %sub3A_299 : vector<16xi32>
        %min3A_304 = vector.broadcast %jit3A_301 : i32 to vector<16xi32>
        %min3A_305 = arith.minsi %min3A_304, %max3A_303 : vector<16xi32>
        %gather3A_306 = tpu.vector_load_idx %arg11[%min3A_305] : memref<588xf32, #tpu.memory_space<vmem>>[vector<16xi32>], vector<16xf32>,
        %ge3A_307 = arith.constant 39936 : i32
        %ge3A_308 = vector.broadcast %ge3A_307 : i32 to vector<16xi32>
        %ge3A_309 = arith.cmpi sge, %add3A_289, %ge3A_308 : vector<16xi32>
        %select_n3A_310 = arith.select %ge3A_309, %gather3A_306, %gather3A_296 : vector<16xi1>, vector<16xf32>
        %swap3A_311 = arith.index_cast %add3A_283 : i32 to index
        %swap3A_312 = tpu.vector_load %arg12[%swap3A_311] {strides = array<i32>} : memref<8192xf32, #tpu.memory_space<vmem>>, vector<16xf32>,
        tpu.vector_store %arg12[%swap3A_311], %select_n3A_310 {strides = array<i32>} : memref<8192xf32, #tpu.memory_space<vmem>>, vector<16xf32>,
        %scan3A_313 = arith.constant 0 : i32
        scf.yield %scan3A_313 : i32
      }
      %scan3A_243 = arith.constant 64 : i32
    } else {
    }
    %lt3A_160 = arith.constant 15 : i32
    %lt3A_161 = arith.cmpi slt, %arg1, %lt3A_160 : i32
    %convert_element_type3A_162 = arith.extui %lt3A_161 : i1 to i32
    %cond3A_163 = arith.constant 0 : i32
    %cond3A_164 = arith.cmpi ne, %convert_element_type3A_162, %cond3A_163 : i32
    scf.if %cond3A_164 {
      %scan3A_233 = arith.constant 0 : i32
      %scan3A_234 = arith.constant 0 : i32
      %scan3A_235 = arith.constant 64 : i32
      %scan3A_236 = arith.addi %scan3A_234, %scan3A_235 : i32
      %scan3A_237 = arith.constant 1 : i32
      %scan3A_238 = scf.for %scan3A_240 = %scan3A_234 to %scan3A_236 step %scan3A_237 iter_args(%scan3A_241 = %scan3A_233) -> (i32)  : i32 {
        %mul3A_242 = arith.constant 2 : i32
        %mul3A_243 = arith.muli %scan3A_240, %mul3A_242 : i32
        %mul3A_244 = arith.constant 16 : i32
        %mul3A_245 = arith.muli %mul3A_243, %mul3A_244 : i32
        %add3A_246 = arith.constant 6144 : i32
        %add3A_247 = arith.addi %add3A_246, %mul3A_245 : i32
        %get3A_248 = arith.constant 0 : i32
        %get3A_249 = arith.index_cast %get3A_248 : i32 to index
        %get3A_250 = arith.index_cast %add3A_247 : i32 to index
        %get3A_251 = tpu.vector_load %arg7[%get3A_249, %get3A_250] {strides = array<i32>} : memref<1x8192xi32, #tpu.memory_space<vmem>>, vector<16xi32>,
        %add3A_252 = vector.broadcast %sub3A_124 : i32 to vector<16xi32>
        %add3A_253 = arith.addi %get3A_251, %add3A_252 : vector<16xi32>
        %shift_right_logical3A = arith.constant 7 : i32
        %shift_right_logical3A_254 = vector.broadcast %shift_right_logical3A : i32 to vector<16xi32>
        %shift_right_logical3A_255 = arith.shrui %add3A_253, %shift_right_logical3A_254 : vector<16xi32>
        %and3A_256 = arith.constant 127 : i32
        %and3A_257 = vector.broadcast %and3A_256 : i32 to vector<16xi32>
        %and3A_258 = arith.andi %add3A_253, %and3A_257 : vector<16xi32>
        %gather3A = tpu.vector_load_idx %arg9[%shift_right_logical3A_255, %and3A_258] : memref<312x128xf32, #tpu.memory_space<vmem>>[vector<16xi32>, vector<16xi32>], vector<16xf32>,
        %swap3A = arith.index_cast %add3A_247 : i32 to index
        %swap3A_259 = tpu.vector_load %arg12[%swap3A] {strides = array<i32>} : memref<8192xf32, #tpu.memory_space<vmem>>, vector<16xf32>,
        tpu.vector_store %arg12[%swap3A], %gather3A {strides = array<i32>} : memref<8192xf32, #tpu.memory_space<vmem>>, vector<16xf32>,
        %mul3A_260 = arith.constant 2 : i32
        %mul3A_261 = arith.muli %scan3A_240, %mul3A_260 : i32
        %mul3A_262 = arith.constant 16 : i32
        %mul3A_263 = arith.muli %mul3A_261, %mul3A_262 : i32
        %add3A_264 = arith.constant 6144 : i32
        %add3A_265 = arith.addi %add3A_264, %mul3A_263 : i32
        %add3A_266 = arith.constant 16 : i32
        %add3A_267 = arith.addi %add3A_265, %add3A_266 : i32
        %get3A_268 = arith.constant 0 : i32
        %get3A_269 = arith.index_cast %get3A_268 : i32 to index
        %get3A_270 = arith.index_cast %add3A_267 : i32 to index
        %get3A_271 = tpu.vector_load %arg7[%get3A_269, %get3A_270] {strides = array<i32>} : memref<1x8192xi32, #tpu.memory_space<vmem>>, vector<16xi32>,
        %add3A_272 = vector.broadcast %sub3A_124 : i32 to vector<16xi32>
        %add3A_273 = arith.addi %get3A_271, %add3A_272 : vector<16xi32>
        %shift_right_logical3A_274 = arith.constant 7 : i32
        %shift_right_logical3A_275 = vector.broadcast %shift_right_logical3A_274 : i32 to vector<16xi32>
        %shift_right_logical3A_276 = arith.shrui %add3A_273, %shift_right_logical3A_275 : vector<16xi32>
        %and3A_277 = arith.constant 127 : i32
        %and3A_278 = vector.broadcast %and3A_277 : i32 to vector<16xi32>
        %and3A_279 = arith.andi %add3A_273, %and3A_278 : vector<16xi32>
        %gather3A_280 = tpu.vector_load_idx %arg9[%shift_right_logical3A_276, %and3A_279] : memref<312x128xf32, #tpu.memory_space<vmem>>[vector<16xi32>, vector<16xi32>], vector<16xf32>,
        %swap3A_281 = arith.index_cast %add3A_267 : i32 to index
        %swap3A_282 = tpu.vector_load %arg12[%swap3A_281] {strides = array<i32>} : memref<8192xf32, #tpu.memory_space<vmem>>, vector<16xf32>,
        tpu.vector_store %arg12[%swap3A_281], %gather3A_280 {strides = array<i32>} : memref<8192xf32, #tpu.memory_space<vmem>>, vector<16xf32>,
        %scan3A_283 = arith.constant 0 : i32
        scf.yield %scan3A_283 : i32
      }
      %scan3A_239 = arith.constant 64 : i32
    } else {
    }
    %eq3A_165 = arith.constant 15 : i32
    %eq3A_166 = arith.cmpi eq, %arg1, %eq3A_165 : i32
    %convert_element_type3A_167 = arith.extui %eq3A_166 : i1 to i32
    %cond3A_168 = arith.constant 0 : i32
    %cond3A_169 = arith.cmpi ne, %convert_element_type3A_167, %cond3A_168 : i32
    scf.if %cond3A_169 {
      %mul3A_233 = arith.constant 128 : i32
      %mul3A_234 = arith.muli %multiple_of3A, %mul3A_233 : i32
      %sub3A_235 = arith.constant 961550 : i32
      %sub3A_236 = arith.subi %sub3A_235, %mul3A_234 : i32
      %scan3A_237 = arith.constant 0 : i32
      %scan3A_238 = arith.constant 0 : i32
      %scan3A_239 = arith.constant 64 : i32
      %scan3A_240 = arith.addi %scan3A_238, %scan3A_239 : i32
      %scan3A_241 = arith.constant 1 : i32
      %scan3A_242 = scf.for %scan3A_244 = %scan3A_238 to %scan3A_240 step %scan3A_241 iter_args(%scan3A_245 = %scan3A_237) -> (i32)  : i32 {
        %mul3A_246 = arith.constant 2 : i32
        %mul3A_247 = arith.muli %scan3A_244, %mul3A_246 : i32
        %mul3A_248 = arith.constant 16 : i32
        %mul3A_249 = arith.muli %mul3A_247, %mul3A_248 : i32
        %add3A_250 = arith.constant 6144 : i32
        %add3A_251 = arith.addi %add3A_250, %mul3A_249 : i32
        %get3A_252 = arith.constant 0 : i32
        %get3A_253 = arith.index_cast %get3A_252 : i32 to index
        %get3A_254 = arith.index_cast %add3A_251 : i32 to index
        %get3A_255 = tpu.vector_load %arg7[%get3A_253, %get3A_254] {strides = array<i32>} : memref<1x8192xi32, #tpu.memory_space<vmem>>, vector<16xi32>,
        %add3A_256 = vector.broadcast %sub3A_236 : i32 to vector<16xi32>
        %add3A_257 = arith.addi %get3A_255, %add3A_256 : vector<16xi32>
        %shift_right_logical3A = arith.constant 7 : i32
        %shift_right_logical3A_258 = vector.broadcast %shift_right_logical3A : i32 to vector<16xi32>
        %shift_right_logical3A_259 = arith.shrui %add3A_257, %shift_right_logical3A_258 : vector<16xi32>
        %and3A_260 = arith.constant 127 : i32
        %and3A_261 = vector.broadcast %and3A_260 : i32 to vector<16xi32>
        %and3A_262 = arith.andi %add3A_257, %and3A_261 : vector<16xi32>
        %gather3A = tpu.vector_load_idx %arg9[%shift_right_logical3A_259, %and3A_262] : memref<312x128xf32, #tpu.memory_space<vmem>>[vector<16xi32>, vector<16xi32>], vector<16xf32>,
        %sub3A_263 = arith.constant 39936 : i32
        %sub3A_264 = vector.broadcast %sub3A_263 : i32 to vector<16xi32>
        %sub3A_265 = arith.subi %add3A_257, %sub3A_264 : vector<16xi32>
        %jit3A_266 = arith.constant 0 : i32
        %jit3A_267 = arith.constant 587 : i32
        %max3A = vector.broadcast %jit3A_266 : i32 to vector<16xi32>
        %max3A_268 = arith.maxsi %max3A, %sub3A_265 : vector<16xi32>
        %min3A_269 = vector.broadcast %jit3A_267 : i32 to vector<16xi32>
        %min3A_270 = arith.minsi %min3A_269, %max3A_268 : vector<16xi32>
        %gather3A_271 = tpu.vector_load_idx %arg11[%min3A_270] : memref<588xf32, #tpu.memory_space<vmem>>[vector<16xi32>], vector<16xf32>,
        %ge3A = arith.constant 39936 : i32
        %ge3A_272 = vector.broadcast %ge3A : i32 to vector<16xi32>
        %ge3A_273 = arith.cmpi sge, %add3A_257, %ge3A_272 : vector<16xi32>
        %select_n3A_274 = arith.select %ge3A_273, %gather3A_271, %gather3A : vector<16xi1>, vector<16xf32>
        %swap3A = arith.index_cast %add3A_251 : i32 to index
        %swap3A_275 = tpu.vector_load %arg12[%swap3A] {strides = array<i32>} : memref<8192xf32, #tpu.memory_space<vmem>>, vector<16xf32>,
        tpu.vector_store %arg12[%swap3A], %select_n3A_274 {strides = array<i32>} : memref<8192xf32, #tpu.memory_space<vmem>>, vector<16xf32>,
        %mul3A_276 = arith.constant 2 : i32
        %mul3A_277 = arith.muli %scan3A_244, %mul3A_276 : i32
        %mul3A_278 = arith.constant 16 : i32
        %mul3A_279 = arith.muli %mul3A_277, %mul3A_278 : i32
        %add3A_280 = arith.constant 6144 : i32
        %add3A_281 = arith.addi %add3A_280, %mul3A_279 : i32
        %add3A_282 = arith.constant 16 : i32
        %add3A_283 = arith.addi %add3A_281, %add3A_282 : i32
        %get3A_284 = arith.constant 0 : i32
        %get3A_285 = arith.index_cast %get3A_284 : i32 to index
        %get3A_286 = arith.index_cast %add3A_283 : i32 to index
        %get3A_287 = tpu.vector_load %arg7[%get3A_285, %get3A_286] {strides = array<i32>} : memref<1x8192xi32, #tpu.memory_space<vmem>>, vector<16xi32>,
        %add3A_288 = vector.broadcast %sub3A_236 : i32 to vector<16xi32>
        %add3A_289 = arith.addi %get3A_287, %add3A_288 : vector<16xi32>
        %shift_right_logical3A_290 = arith.constant 7 : i32
        %shift_right_logical3A_291 = vector.broadcast %shift_right_logical3A_290 : i32 to vector<16xi32>
        %shift_right_logical3A_292 = arith.shrui %add3A_289, %shift_right_logical3A_291 : vector<16xi32>
        %and3A_293 = arith.constant 127 : i32
        %and3A_294 = vector.broadcast %and3A_293 : i32 to vector<16xi32>
        %and3A_295 = arith.andi %add3A_289, %and3A_294 : vector<16xi32>
        %gather3A_296 = tpu.vector_load_idx %arg9[%shift_right_logical3A_292, %and3A_295] : memref<312x128xf32, #tpu.memory_space<vmem>>[vector<16xi32>, vector<16xi32>], vector<16xf32>,
        %sub3A_297 = arith.constant 39936 : i32
        %sub3A_298 = vector.broadcast %sub3A_297 : i32 to vector<16xi32>
        %sub3A_299 = arith.subi %add3A_289, %sub3A_298 : vector<16xi32>
        %jit3A_300 = arith.constant 0 : i32
        %jit3A_301 = arith.constant 587 : i32
        %max3A_302 = vector.broadcast %jit3A_300 : i32 to vector<16xi32>
        %max3A_303 = arith.maxsi %max3A_302, %sub3A_299 : vector<16xi32>
        %min3A_304 = vector.broadcast %jit3A_301 : i32 to vector<16xi32>
        %min3A_305 = arith.minsi %min3A_304, %max3A_303 : vector<16xi32>
        %gather3A_306 = tpu.vector_load_idx %arg11[%min3A_305] : memref<588xf32, #tpu.memory_space<vmem>>[vector<16xi32>], vector<16xf32>,
        %ge3A_307 = arith.constant 39936 : i32
        %ge3A_308 = vector.broadcast %ge3A_307 : i32 to vector<16xi32>
        %ge3A_309 = arith.cmpi sge, %add3A_289, %ge3A_308 : vector<16xi32>
        %select_n3A_310 = arith.select %ge3A_309, %gather3A_306, %gather3A_296 : vector<16xi1>, vector<16xf32>
        %swap3A_311 = arith.index_cast %add3A_283 : i32 to index
        %swap3A_312 = tpu.vector_load %arg12[%swap3A_311] {strides = array<i32>} : memref<8192xf32, #tpu.memory_space<vmem>>, vector<16xf32>,
        tpu.vector_store %arg12[%swap3A_311], %select_n3A_310 {strides = array<i32>} : memref<8192xf32, #tpu.memory_space<vmem>>, vector<16xf32>,
        %scan3A_313 = arith.constant 0 : i32
        scf.yield %scan3A_313 : i32
      }
      %scan3A_243 = arith.constant 64 : i32
    } else {
    }
    %convert_element_type3A_170 = arith.extui %lt3A_0 : i1 to i32
    %cond3A_171 = arith.constant 0 : i32
    %cond3A_172 = arith.cmpi ne, %convert_element_type3A_170, %cond3A_171 : i32
    scf.if %cond3A_172 {
      %mul3A_233 = arith.constant 8192 : i32
      %mul3A_234 = arith.muli %arg0, %mul3A_233 : i32
      %dma_wait3A_235 = tpu.memref_slice %arg2[%add3A_6, %mul3A_234] : memref<26x16384xi32, #tpu.memory_space<hbm>> -> memref<1x8192xi32, #tpu.memory_space<hbm>>
      %dma_wait3A_236 = tpu.memref_slice %arg2[%add3A_6, %mul3A_234] : memref<26x16384xi32, #tpu.memory_space<hbm>> -> memref<1x8192xi32, #tpu.memory_space<hbm>>
      tpu.wait_dma2 semaphore(%arg20 : memref<!tpu.dma_semaphore, #tpu.memory_space<semaphore_mem>>) src(%dma_wait3A_236 : memref<1x8192xi32, #tpu.memory_space<hbm>>) dst(%arg8 : memref<1x8192xi32, #tpu.memory_space<vmem>>)
      %dma_wait3A_237 = arith.constant 0 : i32
      %dma_wait3A_238 = tpu.memref_slice %arg3[%multiple_of3A_59, %dma_wait3A_237] : memref<7808x128xf32, #tpu.memory_space<hbm>> -> memref<312x128xf32, #tpu.memory_space<hbm>>
      %dma_wait3A_239 = arith.constant 0 : i32
      %dma_wait3A_240 = tpu.memref_slice %arg3[%multiple_of3A_59, %dma_wait3A_239] : memref<7808x128xf32, #tpu.memory_space<hbm>> -> memref<312x128xf32, #tpu.memory_space<hbm>>
      tpu.wait_dma2 semaphore(%arg20 : memref<!tpu.dma_semaphore, #tpu.memory_space<semaphore_mem>>) src(%dma_wait3A_240 : memref<312x128xf32, #tpu.memory_space<hbm>>) dst(%arg10 : memref<312x128xf32, #tpu.memory_space<vmem>>)
    } else {
    }
    %convert_element_type3A_173 = arith.extui %lt3A_0 : i1 to i32
    %cond3A_174 = arith.constant 0 : i32
    %cond3A_175 = arith.cmpi ne, %convert_element_type3A_173, %cond3A_174 : i32
    scf.if %cond3A_175 {
      %scan3A_233 = arith.constant 0 : i32
      %scan3A_234 = arith.constant 0 : i32
      %scan3A_235 = arith.constant 64 : i32
      %scan3A_236 = arith.addi %scan3A_234, %scan3A_235 : i32
      %scan3A_237 = arith.constant 1 : i32
      %scan3A_238 = scf.for %scan3A_240 = %scan3A_234 to %scan3A_236 step %scan3A_237 iter_args(%scan3A_241 = %scan3A_233) -> (i32)  : i32 {
        %mul3A_242 = arith.constant 2 : i32
        %mul3A_243 = arith.muli %scan3A_240, %mul3A_242 : i32
        %mul3A_244 = arith.constant 16 : i32
        %mul3A_245 = arith.muli %mul3A_243, %mul3A_244 : i32
        %add3A_246 = arith.constant 0 : i32
        %add3A_247 = arith.addi %add3A_246, %mul3A_245 : i32
        %get3A_248 = arith.constant 0 : i32
        %get3A_249 = arith.index_cast %get3A_248 : i32 to index
        %get3A_250 = arith.index_cast %add3A_247 : i32 to index
        %get3A_251 = tpu.vector_load %arg8[%get3A_249, %get3A_250] {strides = array<i32>} : memref<1x8192xi32, #tpu.memory_space<vmem>>, vector<16xi32>,
        %add3A_252 = vector.broadcast %sub3A_129 : i32 to vector<16xi32>
        %add3A_253 = arith.addi %get3A_251, %add3A_252 : vector<16xi32>
        %shift_right_logical3A = arith.constant 7 : i32
        %shift_right_logical3A_254 = vector.broadcast %shift_right_logical3A : i32 to vector<16xi32>
        %shift_right_logical3A_255 = arith.shrui %add3A_253, %shift_right_logical3A_254 : vector<16xi32>
        %and3A_256 = arith.constant 127 : i32
        %and3A_257 = vector.broadcast %and3A_256 : i32 to vector<16xi32>
        %and3A_258 = arith.andi %add3A_253, %and3A_257 : vector<16xi32>
        %gather3A = tpu.vector_load_idx %arg10[%shift_right_logical3A_255, %and3A_258] : memref<312x128xf32, #tpu.memory_space<vmem>>[vector<16xi32>, vector<16xi32>], vector<16xf32>,
        %get3A_259 = arith.index_cast %add3A_247 : i32 to index
        %get3A_260 = tpu.vector_load %arg12[%get3A_259] {strides = array<i32>} : memref<8192xf32, #tpu.memory_space<vmem>>, vector<16xf32>,
        %add3A_261 = arith.addf %get3A_260, %gather3A : vector<16xf32>
        %swap3A = arith.index_cast %add3A_247 : i32 to index
        %swap3A_262 = tpu.vector_load %arg12[%swap3A] {strides = array<i32>} : memref<8192xf32, #tpu.memory_space<vmem>>, vector<16xf32>,
        tpu.vector_store %arg12[%swap3A], %add3A_261 {strides = array<i32>} : memref<8192xf32, #tpu.memory_space<vmem>>, vector<16xf32>,
        %mul3A_263 = arith.constant 2 : i32
        %mul3A_264 = arith.muli %scan3A_240, %mul3A_263 : i32
        %mul3A_265 = arith.constant 16 : i32
        %mul3A_266 = arith.muli %mul3A_264, %mul3A_265 : i32
        %add3A_267 = arith.constant 0 : i32
        %add3A_268 = arith.addi %add3A_267, %mul3A_266 : i32
        %add3A_269 = arith.constant 16 : i32
        %add3A_270 = arith.addi %add3A_268, %add3A_269 : i32
        %get3A_271 = arith.constant 0 : i32
        %get3A_272 = arith.index_cast %get3A_271 : i32 to index
        %get3A_273 = arith.index_cast %add3A_270 : i32 to index
        %get3A_274 = tpu.vector_load %arg8[%get3A_272, %get3A_273] {strides = array<i32>} : memref<1x8192xi32, #tpu.memory_space<vmem>>, vector<16xi32>,
        %add3A_275 = vector.broadcast %sub3A_129 : i32 to vector<16xi32>
        %add3A_276 = arith.addi %get3A_274, %add3A_275 : vector<16xi32>
        %shift_right_logical3A_277 = arith.constant 7 : i32
        %shift_right_logical3A_278 = vector.broadcast %shift_right_logical3A_277 : i32 to vector<16xi32>
        %shift_right_logical3A_279 = arith.shrui %add3A_276, %shift_right_logical3A_278 : vector<16xi32>
        %and3A_280 = arith.constant 127 : i32
        %and3A_281 = vector.broadcast %and3A_280 : i32 to vector<16xi32>
        %and3A_282 = arith.andi %add3A_276, %and3A_281 : vector<16xi32>
        %gather3A_283 = tpu.vector_load_idx %arg10[%shift_right_logical3A_279, %and3A_282] : memref<312x128xf32, #tpu.memory_space<vmem>>[vector<16xi32>, vector<16xi32>], vector<16xf32>,
        %get3A_284 = arith.index_cast %add3A_270 : i32 to index
        %get3A_285 = tpu.vector_load %arg12[%get3A_284] {strides = array<i32>} : memref<8192xf32, #tpu.memory_space<vmem>>, vector<16xf32>,
        %add3A_286 = arith.addf %get3A_285, %gather3A_283 : vector<16xf32>
        %swap3A_287 = arith.index_cast %add3A_270 : i32 to index
        %swap3A_288 = tpu.vector_load %arg12[%swap3A_287] {strides = array<i32>} : memref<8192xf32, #tpu.memory_space<vmem>>, vector<16xf32>,
        tpu.vector_store %arg12[%swap3A_287], %add3A_286 {strides = array<i32>} : memref<8192xf32, #tpu.memory_space<vmem>>, vector<16xf32>,
        %scan3A_289 = arith.constant 0 : i32
        scf.yield %scan3A_289 : i32
      }
      %scan3A_239 = arith.constant 64 : i32
    } else {
    }
    %dma_start3A_176 = arith.constant 0 : i32
    %dma_start3A_177 = tpu.memref_slice %arg12[%dma_start3A_176] : memref<8192xf32, #tpu.memory_space<vmem>> -> memref<2048xf32, #tpu.memory_space<vmem>>
    %dma_start3A_178 = arith.constant 0 : i32
    %dma_start3A_179 = tpu.memref_slice %arg19[%dma_start3A_178] : memref<8192xf32, #tpu.memory_space<vmem_shared>> -> memref<8192xf32, #tpu.memory_space<vmem_shared>>
    tpu.enqueue_indirect_dma source(%dma_start3A_177 : memref<2048xf32, #tpu.memory_space<vmem>>) target(%dma_start3A_179 : memref<8192xf32, #tpu.memory_space<vmem_shared>>) offsets(%arg13 : memref<2048xi32, #tpu.memory_space<vmem>>) semaphore(%arg20 : memref<!tpu.dma_semaphore, #tpu.memory_space<semaphore_mem>>) {add = true}
    %convert_element_type3A_180 = arith.extui %lt3A_0 : i1 to i32
    %cond3A_181 = arith.constant 0 : i32
    %cond3A_182 = arith.cmpi ne, %convert_element_type3A_180, %cond3A_181 : i32
    scf.if %cond3A_182 {
      %scan3A_233 = arith.constant 0 : i32
      %scan3A_234 = arith.constant 0 : i32
      %scan3A_235 = arith.constant 64 : i32
      %scan3A_236 = arith.addi %scan3A_234, %scan3A_235 : i32
      %scan3A_237 = arith.constant 1 : i32
      %scan3A_238 = scf.for %scan3A_240 = %scan3A_234 to %scan3A_236 step %scan3A_237 iter_args(%scan3A_241 = %scan3A_233) -> (i32)  : i32 {
        %mul3A_242 = arith.constant 2 : i32
        %mul3A_243 = arith.muli %scan3A_240, %mul3A_242 : i32
        %mul3A_244 = arith.constant 16 : i32
        %mul3A_245 = arith.muli %mul3A_243, %mul3A_244 : i32
        %add3A_246 = arith.constant 2048 : i32
        %add3A_247 = arith.addi %add3A_246, %mul3A_245 : i32
        %get3A_248 = arith.constant 0 : i32
        %get3A_249 = arith.index_cast %get3A_248 : i32 to index
        %get3A_250 = arith.index_cast %add3A_247 : i32 to index
        %get3A_251 = tpu.vector_load %arg8[%get3A_249, %get3A_250] {strides = array<i32>} : memref<1x8192xi32, #tpu.memory_space<vmem>>, vector<16xi32>,
        %add3A_252 = vector.broadcast %sub3A_129 : i32 to vector<16xi32>
        %add3A_253 = arith.addi %get3A_251, %add3A_252 : vector<16xi32>
        %shift_right_logical3A = arith.constant 7 : i32
        %shift_right_logical3A_254 = vector.broadcast %shift_right_logical3A : i32 to vector<16xi32>
        %shift_right_logical3A_255 = arith.shrui %add3A_253, %shift_right_logical3A_254 : vector<16xi32>
        %and3A_256 = arith.constant 127 : i32
        %and3A_257 = vector.broadcast %and3A_256 : i32 to vector<16xi32>
        %and3A_258 = arith.andi %add3A_253, %and3A_257 : vector<16xi32>
        %gather3A = tpu.vector_load_idx %arg10[%shift_right_logical3A_255, %and3A_258] : memref<312x128xf32, #tpu.memory_space<vmem>>[vector<16xi32>, vector<16xi32>], vector<16xf32>,
        %get3A_259 = arith.index_cast %add3A_247 : i32 to index
        %get3A_260 = tpu.vector_load %arg12[%get3A_259] {strides = array<i32>} : memref<8192xf32, #tpu.memory_space<vmem>>, vector<16xf32>,
        %add3A_261 = arith.addf %get3A_260, %gather3A : vector<16xf32>
        %swap3A = arith.index_cast %add3A_247 : i32 to index
        %swap3A_262 = tpu.vector_load %arg12[%swap3A] {strides = array<i32>} : memref<8192xf32, #tpu.memory_space<vmem>>, vector<16xf32>,
        tpu.vector_store %arg12[%swap3A], %add3A_261 {strides = array<i32>} : memref<8192xf32, #tpu.memory_space<vmem>>, vector<16xf32>,
        %mul3A_263 = arith.constant 2 : i32
        %mul3A_264 = arith.muli %scan3A_240, %mul3A_263 : i32
        %mul3A_265 = arith.constant 16 : i32
        %mul3A_266 = arith.muli %mul3A_264, %mul3A_265 : i32
        %add3A_267 = arith.constant 2048 : i32
        %add3A_268 = arith.addi %add3A_267, %mul3A_266 : i32
        %add3A_269 = arith.constant 16 : i32
        %add3A_270 = arith.addi %add3A_268, %add3A_269 : i32
        %get3A_271 = arith.constant 0 : i32
        %get3A_272 = arith.index_cast %get3A_271 : i32 to index
        %get3A_273 = arith.index_cast %add3A_270 : i32 to index
        %get3A_274 = tpu.vector_load %arg8[%get3A_272, %get3A_273] {strides = array<i32>} : memref<1x8192xi32, #tpu.memory_space<vmem>>, vector<16xi32>,
        %add3A_275 = vector.broadcast %sub3A_129 : i32 to vector<16xi32>
        %add3A_276 = arith.addi %get3A_274, %add3A_275 : vector<16xi32>
        %shift_right_logical3A_277 = arith.constant 7 : i32
        %shift_right_logical3A_278 = vector.broadcast %shift_right_logical3A_277 : i32 to vector<16xi32>
        %shift_right_logical3A_279 = arith.shrui %add3A_276, %shift_right_logical3A_278 : vector<16xi32>
        %and3A_280 = arith.constant 127 : i32
        %and3A_281 = vector.broadcast %and3A_280 : i32 to vector<16xi32>
        %and3A_282 = arith.andi %add3A_276, %and3A_281 : vector<16xi32>
        %gather3A_283 = tpu.vector_load_idx %arg10[%shift_right_logical3A_279, %and3A_282] : memref<312x128xf32, #tpu.memory_space<vmem>>[vector<16xi32>, vector<16xi32>], vector<16xf32>,
        %get3A_284 = arith.index_cast %add3A_270 : i32 to index
        %get3A_285 = tpu.vector_load %arg12[%get3A_284] {strides = array<i32>} : memref<8192xf32, #tpu.memory_space<vmem>>, vector<16xf32>,
        %add3A_286 = arith.addf %get3A_285, %gather3A_283 : vector<16xf32>
        %swap3A_287 = arith.index_cast %add3A_270 : i32 to index
        %swap3A_288 = tpu.vector_load %arg12[%swap3A_287] {strides = array<i32>} : memref<8192xf32, #tpu.memory_space<vmem>>, vector<16xf32>,
        tpu.vector_store %arg12[%swap3A_287], %add3A_286 {strides = array<i32>} : memref<8192xf32, #tpu.memory_space<vmem>>, vector<16xf32>,
        %scan3A_289 = arith.constant 0 : i32
        scf.yield %scan3A_289 : i32
      }
      %scan3A_239 = arith.constant 64 : i32
    } else {
    }
    %dma_start3A_183 = arith.constant 2048 : i32
    %dma_start3A_184 = tpu.memref_slice %arg12[%dma_start3A_183] : memref<8192xf32, #tpu.memory_space<vmem>> -> memref<2048xf32, #tpu.memory_space<vmem>>
    %dma_start3A_185 = arith.constant 0 : i32
    %dma_start3A_186 = tpu.memref_slice %arg19[%dma_start3A_185] : memref<8192xf32, #tpu.memory_space<vmem_shared>> -> memref<8192xf32, #tpu.memory_space<vmem_shared>>
    tpu.enqueue_indirect_dma source(%dma_start3A_184 : memref<2048xf32, #tpu.memory_space<vmem>>) target(%dma_start3A_186 : memref<8192xf32, #tpu.memory_space<vmem_shared>>) offsets(%arg14 : memref<2048xi32, #tpu.memory_space<vmem>>) semaphore(%arg20 : memref<!tpu.dma_semaphore, #tpu.memory_space<semaphore_mem>>) {add = true}
    %convert_element_type3A_187 = arith.extui %lt3A_0 : i1 to i32
    %cond3A_188 = arith.constant 0 : i32
    %cond3A_189 = arith.cmpi ne, %convert_element_type3A_187, %cond3A_188 : i32
    scf.if %cond3A_189 {
      %scan3A_233 = arith.constant 0 : i32
      %scan3A_234 = arith.constant 0 : i32
      %scan3A_235 = arith.constant 64 : i32
      %scan3A_236 = arith.addi %scan3A_234, %scan3A_235 : i32
      %scan3A_237 = arith.constant 1 : i32
      %scan3A_238 = scf.for %scan3A_240 = %scan3A_234 to %scan3A_236 step %scan3A_237 iter_args(%scan3A_241 = %scan3A_233) -> (i32)  : i32 {
        %mul3A_242 = arith.constant 2 : i32
        %mul3A_243 = arith.muli %scan3A_240, %mul3A_242 : i32
        %mul3A_244 = arith.constant 16 : i32
        %mul3A_245 = arith.muli %mul3A_243, %mul3A_244 : i32
        %add3A_246 = arith.constant 4096 : i32
        %add3A_247 = arith.addi %add3A_246, %mul3A_245 : i32
        %get3A_248 = arith.constant 0 : i32
        %get3A_249 = arith.index_cast %get3A_248 : i32 to index
        %get3A_250 = arith.index_cast %add3A_247 : i32 to index
        %get3A_251 = tpu.vector_load %arg8[%get3A_249, %get3A_250] {strides = array<i32>} : memref<1x8192xi32, #tpu.memory_space<vmem>>, vector<16xi32>,
        %add3A_252 = vector.broadcast %sub3A_129 : i32 to vector<16xi32>
        %add3A_253 = arith.addi %get3A_251, %add3A_252 : vector<16xi32>
        %shift_right_logical3A = arith.constant 7 : i32
        %shift_right_logical3A_254 = vector.broadcast %shift_right_logical3A : i32 to vector<16xi32>
        %shift_right_logical3A_255 = arith.shrui %add3A_253, %shift_right_logical3A_254 : vector<16xi32>
        %and3A_256 = arith.constant 127 : i32
        %and3A_257 = vector.broadcast %and3A_256 : i32 to vector<16xi32>
        %and3A_258 = arith.andi %add3A_253, %and3A_257 : vector<16xi32>
        %gather3A = tpu.vector_load_idx %arg10[%shift_right_logical3A_255, %and3A_258] : memref<312x128xf32, #tpu.memory_space<vmem>>[vector<16xi32>, vector<16xi32>], vector<16xf32>,
        %get3A_259 = arith.index_cast %add3A_247 : i32 to index
        %get3A_260 = tpu.vector_load %arg12[%get3A_259] {strides = array<i32>} : memref<8192xf32, #tpu.memory_space<vmem>>, vector<16xf32>,
        %add3A_261 = arith.addf %get3A_260, %gather3A : vector<16xf32>
        %swap3A = arith.index_cast %add3A_247 : i32 to index
        %swap3A_262 = tpu.vector_load %arg12[%swap3A] {strides = array<i32>} : memref<8192xf32, #tpu.memory_space<vmem>>, vector<16xf32>,
        tpu.vector_store %arg12[%swap3A], %add3A_261 {strides = array<i32>} : memref<8192xf32, #tpu.memory_space<vmem>>, vector<16xf32>,
        %mul3A_263 = arith.constant 2 : i32
        %mul3A_264 = arith.muli %scan3A_240, %mul3A_263 : i32
        %mul3A_265 = arith.constant 16 : i32
        %mul3A_266 = arith.muli %mul3A_264, %mul3A_265 : i32
        %add3A_267 = arith.constant 4096 : i32
        %add3A_268 = arith.addi %add3A_267, %mul3A_266 : i32
        %add3A_269 = arith.constant 16 : i32
        %add3A_270 = arith.addi %add3A_268, %add3A_269 : i32
        %get3A_271 = arith.constant 0 : i32
        %get3A_272 = arith.index_cast %get3A_271 : i32 to index
        %get3A_273 = arith.index_cast %add3A_270 : i32 to index
        %get3A_274 = tpu.vector_load %arg8[%get3A_272, %get3A_273] {strides = array<i32>} : memref<1x8192xi32, #tpu.memory_space<vmem>>, vector<16xi32>,
        %add3A_275 = vector.broadcast %sub3A_129 : i32 to vector<16xi32>
        %add3A_276 = arith.addi %get3A_274, %add3A_275 : vector<16xi32>
        %shift_right_logical3A_277 = arith.constant 7 : i32
        %shift_right_logical3A_278 = vector.broadcast %shift_right_logical3A_277 : i32 to vector<16xi32>
        %shift_right_logical3A_279 = arith.shrui %add3A_276, %shift_right_logical3A_278 : vector<16xi32>
        %and3A_280 = arith.constant 127 : i32
        %and3A_281 = vector.broadcast %and3A_280 : i32 to vector<16xi32>
        %and3A_282 = arith.andi %add3A_276, %and3A_281 : vector<16xi32>
        %gather3A_283 = tpu.vector_load_idx %arg10[%shift_right_logical3A_279, %and3A_282] : memref<312x128xf32, #tpu.memory_space<vmem>>[vector<16xi32>, vector<16xi32>], vector<16xf32>,
        %get3A_284 = arith.index_cast %add3A_270 : i32 to index
        %get3A_285 = tpu.vector_load %arg12[%get3A_284] {strides = array<i32>} : memref<8192xf32, #tpu.memory_space<vmem>>, vector<16xf32>,
        %add3A_286 = arith.addf %get3A_285, %gather3A_283 : vector<16xf32>
        %swap3A_287 = arith.index_cast %add3A_270 : i32 to index
        %swap3A_288 = tpu.vector_load %arg12[%swap3A_287] {strides = array<i32>} : memref<8192xf32, #tpu.memory_space<vmem>>, vector<16xf32>,
        tpu.vector_store %arg12[%swap3A_287], %add3A_286 {strides = array<i32>} : memref<8192xf32, #tpu.memory_space<vmem>>, vector<16xf32>,
        %scan3A_289 = arith.constant 0 : i32
        scf.yield %scan3A_289 : i32
      }
      %scan3A_239 = arith.constant 64 : i32
    } else {
    }
    %dma_start3A_190 = arith.constant 4096 : i32
    %dma_start3A_191 = tpu.memref_slice %arg12[%dma_start3A_190] : memref<8192xf32, #tpu.memory_space<vmem>> -> memref<2048xf32, #tpu.memory_space<vmem>>
    %dma_start3A_192 = arith.constant 0 : i32
    %dma_start3A_193 = tpu.memref_slice %arg19[%dma_start3A_192] : memref<8192xf32, #tpu.memory_space<vmem_shared>> -> memref<8192xf32, #tpu.memory_space<vmem_shared>>
    tpu.enqueue_indirect_dma source(%dma_start3A_191 : memref<2048xf32, #tpu.memory_space<vmem>>) target(%dma_start3A_193 : memref<8192xf32, #tpu.memory_space<vmem_shared>>) offsets(%arg15 : memref<2048xi32, #tpu.memory_space<vmem>>) semaphore(%arg20 : memref<!tpu.dma_semaphore, #tpu.memory_space<semaphore_mem>>) {add = true}
    %convert_element_type3A_194 = arith.extui %lt3A_0 : i1 to i32
    %cond3A_195 = arith.constant 0 : i32
    %cond3A_196 = arith.cmpi ne, %convert_element_type3A_194, %cond3A_195 : i32
    scf.if %cond3A_196 {
      %scan3A_233 = arith.constant 0 : i32
      %scan3A_234 = arith.constant 0 : i32
      %scan3A_235 = arith.constant 64 : i32
      %scan3A_236 = arith.addi %scan3A_234, %scan3A_235 : i32
      %scan3A_237 = arith.constant 1 : i32
      %scan3A_238 = scf.for %scan3A_240 = %scan3A_234 to %scan3A_236 step %scan3A_237 iter_args(%scan3A_241 = %scan3A_233) -> (i32)  : i32 {
        %mul3A_242 = arith.constant 2 : i32
        %mul3A_243 = arith.muli %scan3A_240, %mul3A_242 : i32
        %mul3A_244 = arith.constant 16 : i32
        %mul3A_245 = arith.muli %mul3A_243, %mul3A_244 : i32
        %add3A_246 = arith.constant 6144 : i32
        %add3A_247 = arith.addi %add3A_246, %mul3A_245 : i32
        %get3A_248 = arith.constant 0 : i32
        %get3A_249 = arith.index_cast %get3A_248 : i32 to index
        %get3A_250 = arith.index_cast %add3A_247 : i32 to index
        %get3A_251 = tpu.vector_load %arg8[%get3A_249, %get3A_250] {strides = array<i32>} : memref<1x8192xi32, #tpu.memory_space<vmem>>, vector<16xi32>,
        %add3A_252 = vector.broadcast %sub3A_129 : i32 to vector<16xi32>
        %add3A_253 = arith.addi %get3A_251, %add3A_252 : vector<16xi32>
        %shift_right_logical3A = arith.constant 7 : i32
        %shift_right_logical3A_254 = vector.broadcast %shift_right_logical3A : i32 to vector<16xi32>
        %shift_right_logical3A_255 = arith.shrui %add3A_253, %shift_right_logical3A_254 : vector<16xi32>
        %and3A_256 = arith.constant 127 : i32
        %and3A_257 = vector.broadcast %and3A_256 : i32 to vector<16xi32>
        %and3A_258 = arith.andi %add3A_253, %and3A_257 : vector<16xi32>
        %gather3A = tpu.vector_load_idx %arg10[%shift_right_logical3A_255, %and3A_258] : memref<312x128xf32, #tpu.memory_space<vmem>>[vector<16xi32>, vector<16xi32>], vector<16xf32>,
        %get3A_259 = arith.index_cast %add3A_247 : i32 to index
        %get3A_260 = tpu.vector_load %arg12[%get3A_259] {strides = array<i32>} : memref<8192xf32, #tpu.memory_space<vmem>>, vector<16xf32>,
        %add3A_261 = arith.addf %get3A_260, %gather3A : vector<16xf32>
        %swap3A = arith.index_cast %add3A_247 : i32 to index
        %swap3A_262 = tpu.vector_load %arg12[%swap3A] {strides = array<i32>} : memref<8192xf32, #tpu.memory_space<vmem>>, vector<16xf32>,
        tpu.vector_store %arg12[%swap3A], %add3A_261 {strides = array<i32>} : memref<8192xf32, #tpu.memory_space<vmem>>, vector<16xf32>,
        %mul3A_263 = arith.constant 2 : i32
        %mul3A_264 = arith.muli %scan3A_240, %mul3A_263 : i32
        %mul3A_265 = arith.constant 16 : i32
        %mul3A_266 = arith.muli %mul3A_264, %mul3A_265 : i32
        %add3A_267 = arith.constant 6144 : i32
        %add3A_268 = arith.addi %add3A_267, %mul3A_266 : i32
        %add3A_269 = arith.constant 16 : i32
        %add3A_270 = arith.addi %add3A_268, %add3A_269 : i32
        %get3A_271 = arith.constant 0 : i32
        %get3A_272 = arith.index_cast %get3A_271 : i32 to index
        %get3A_273 = arith.index_cast %add3A_270 : i32 to index
        %get3A_274 = tpu.vector_load %arg8[%get3A_272, %get3A_273] {strides = array<i32>} : memref<1x8192xi32, #tpu.memory_space<vmem>>, vector<16xi32>,
        %add3A_275 = vector.broadcast %sub3A_129 : i32 to vector<16xi32>
        %add3A_276 = arith.addi %get3A_274, %add3A_275 : vector<16xi32>
        %shift_right_logical3A_277 = arith.constant 7 : i32
        %shift_right_logical3A_278 = vector.broadcast %shift_right_logical3A_277 : i32 to vector<16xi32>
        %shift_right_logical3A_279 = arith.shrui %add3A_276, %shift_right_logical3A_278 : vector<16xi32>
        %and3A_280 = arith.constant 127 : i32
        %and3A_281 = vector.broadcast %and3A_280 : i32 to vector<16xi32>
        %and3A_282 = arith.andi %add3A_276, %and3A_281 : vector<16xi32>
        %gather3A_283 = tpu.vector_load_idx %arg10[%shift_right_logical3A_279, %and3A_282] : memref<312x128xf32, #tpu.memory_space<vmem>>[vector<16xi32>, vector<16xi32>], vector<16xf32>,
        %get3A_284 = arith.index_cast %add3A_270 : i32 to index
        %get3A_285 = tpu.vector_load %arg12[%get3A_284] {strides = array<i32>} : memref<8192xf32, #tpu.memory_space<vmem>>, vector<16xf32>,
        %add3A_286 = arith.addf %get3A_285, %gather3A_283 : vector<16xf32>
        %swap3A_287 = arith.index_cast %add3A_270 : i32 to index
        %swap3A_288 = tpu.vector_load %arg12[%swap3A_287] {strides = array<i32>} : memref<8192xf32, #tpu.memory_space<vmem>>, vector<16xf32>,
        tpu.vector_store %arg12[%swap3A_287], %add3A_286 {strides = array<i32>} : memref<8192xf32, #tpu.memory_space<vmem>>, vector<16xf32>,
        %scan3A_289 = arith.constant 0 : i32
        scf.yield %scan3A_289 : i32
      }
      %scan3A_239 = arith.constant 64 : i32
    } else {
    }
    %dma_start3A_197 = arith.constant 6144 : i32
    %dma_start3A_198 = tpu.memref_slice %arg12[%dma_start3A_197] : memref<8192xf32, #tpu.memory_space<vmem>> -> memref<2048xf32, #tpu.memory_space<vmem>>
    %dma_start3A_199 = arith.constant 0 : i32
    %dma_start3A_200 = tpu.memref_slice %arg19[%dma_start3A_199] : memref<8192xf32, #tpu.memory_space<vmem_shared>> -> memref<8192xf32, #tpu.memory_space<vmem_shared>>
    tpu.enqueue_indirect_dma source(%dma_start3A_198 : memref<2048xf32, #tpu.memory_space<vmem>>) target(%dma_start3A_200 : memref<8192xf32, #tpu.memory_space<vmem_shared>>) offsets(%arg16 : memref<2048xi32, #tpu.memory_space<vmem>>) semaphore(%arg20 : memref<!tpu.dma_semaphore, #tpu.memory_space<semaphore_mem>>) {add = true}
    %dma_wait3A_201 = arith.constant 0 : i32
    %dma_wait3A_202 = tpu.memref_slice %arg12[%dma_wait3A_201] : memref<8192xf32, #tpu.memory_space<vmem>> -> memref<2048xf32, #tpu.memory_space<vmem>>
    %dma_wait3A_203 = arith.constant 0 : i32
    %dma_wait3A_204 = tpu.memref_slice %arg19[%dma_wait3A_203] : memref<8192xf32, #tpu.memory_space<vmem_shared>> -> memref<8192xf32, #tpu.memory_space<vmem_shared>>
    tpu.wait_indirect_dma semaphore(%arg20 : memref<!tpu.dma_semaphore, #tpu.memory_space<semaphore_mem>>) src(%dma_wait3A_202 : memref<2048xf32, #tpu.memory_space<vmem>>) dst(%dma_wait3A_204 : memref<8192xf32, #tpu.memory_space<vmem_shared>>)
    %dma_wait3A_205 = arith.constant 2048 : i32
    %dma_wait3A_206 = tpu.memref_slice %arg12[%dma_wait3A_205] : memref<8192xf32, #tpu.memory_space<vmem>> -> memref<2048xf32, #tpu.memory_space<vmem>>
    %dma_wait3A_207 = arith.constant 0 : i32
    %dma_wait3A_208 = tpu.memref_slice %arg19[%dma_wait3A_207] : memref<8192xf32, #tpu.memory_space<vmem_shared>> -> memref<8192xf32, #tpu.memory_space<vmem_shared>>
    tpu.wait_indirect_dma semaphore(%arg20 : memref<!tpu.dma_semaphore, #tpu.memory_space<semaphore_mem>>) src(%dma_wait3A_206 : memref<2048xf32, #tpu.memory_space<vmem>>) dst(%dma_wait3A_208 : memref<8192xf32, #tpu.memory_space<vmem_shared>>)
    %dma_wait3A_209 = arith.constant 4096 : i32
    %dma_wait3A_210 = tpu.memref_slice %arg12[%dma_wait3A_209] : memref<8192xf32, #tpu.memory_space<vmem>> -> memref<2048xf32, #tpu.memory_space<vmem>>
    %dma_wait3A_211 = arith.constant 0 : i32
    %dma_wait3A_212 = tpu.memref_slice %arg19[%dma_wait3A_211] : memref<8192xf32, #tpu.memory_space<vmem_shared>> -> memref<8192xf32, #tpu.memory_space<vmem_shared>>
    tpu.wait_indirect_dma semaphore(%arg20 : memref<!tpu.dma_semaphore, #tpu.memory_space<semaphore_mem>>) src(%dma_wait3A_210 : memref<2048xf32, #tpu.memory_space<vmem>>) dst(%dma_wait3A_212 : memref<8192xf32, #tpu.memory_space<vmem_shared>>)
    %dma_wait3A_213 = arith.constant 6144 : i32
    %dma_wait3A_214 = tpu.memref_slice %arg12[%dma_wait3A_213] : memref<8192xf32, #tpu.memory_space<vmem>> -> memref<2048xf32, #tpu.memory_space<vmem>>
    %dma_wait3A_215 = arith.constant 0 : i32
    %dma_wait3A_216 = tpu.memref_slice %arg19[%dma_wait3A_215] : memref<8192xf32, #tpu.memory_space<vmem_shared>> -> memref<8192xf32, #tpu.memory_space<vmem_shared>>
    tpu.wait_indirect_dma semaphore(%arg20 : memref<!tpu.dma_semaphore, #tpu.memory_space<semaphore_mem>>) src(%dma_wait3A_214 : memref<2048xf32, #tpu.memory_space<vmem>>) dst(%dma_wait3A_216 : memref<8192xf32, #tpu.memory_space<vmem_shared>>)
    %barrier3A_217 = arith.constant 0 : index
    tpu.barrier barrier_id(%barrier3A_217)
    %mul3A_218 = arith.constant 512 : i32
    %mul3A_219 = arith.muli %arg1, %mul3A_218 : i32
    "tpu.region"() ({
      %run_scoped3A = tpu.sem_alloc : memref<!tpu.dma_semaphore, #tpu.memory_space<semaphore_mem>>
      %dma_start3A_233 = tpu.memref_slice %arg19[%mul3A_219] : memref<8192xf32, #tpu.memory_space<vmem_shared>> -> memref<512xf32, #tpu.memory_space<vmem_shared>>
      %dma_start3A_234 = tpu.memref_slice %arg19[%mul3A_219] : memref<8192xf32, #tpu.memory_space<vmem_shared>> -> memref<512xf32, #tpu.memory_space<vmem_shared>>
      tpu.enqueue_dma source(%dma_start3A_234 : memref<512xf32, #tpu.memory_space<vmem_shared>>) target(%arg17 : memref<512xf32, #tpu.memory_space<vmem>>) target_semaphore(%run_scoped3A : memref<!tpu.dma_semaphore, #tpu.memory_space<semaphore_mem>>)
      %dma_wait3A_235 = tpu.memref_slice %arg19[%mul3A_219] : memref<8192xf32, #tpu.memory_space<vmem_shared>> -> memref<512xf32, #tpu.memory_space<vmem_shared>>
      %dma_wait3A_236 = tpu.memref_slice %arg19[%mul3A_219] : memref<8192xf32, #tpu.memory_space<vmem_shared>> -> memref<512xf32, #tpu.memory_space<vmem_shared>>
      tpu.wait_dma2 semaphore(%run_scoped3A : memref<!tpu.dma_semaphore, #tpu.memory_space<semaphore_mem>>) src(%dma_wait3A_236 : memref<512xf32, #tpu.memory_space<vmem_shared>>) dst(%arg17 : memref<512xf32, #tpu.memory_space<vmem>>)
      tpu.yield
    }) : () -> ()
    %get3A = arith.constant 0 : index
    %get3A_220 = tpu.vector_load %arg18[%get3A] {strides = array<i32>} : memref<16xf32, #tpu.memory_space<vmem>>, vector<16xf32>,
    %scan3A_221 = arith.constant 0 : i32
    %scan3A_222 = arith.constant 0 : i32
    %scan3A_223 = arith.constant 32 : i32
    %scan3A_224 = arith.addi %scan3A_222, %scan3A_223 : i32
    %scan3A_225 = arith.constant 1 : i32
    %scan3A_226 = scf.for %scan3A_233 = %scan3A_222 to %scan3A_224 step %scan3A_225 iter_args(%scan3A_234 = %scan3A_221) -> (i32)  : i32 {
      %mul3A_235 = arith.constant 16 : i32
      %mul3A_236 = arith.muli %scan3A_233, %mul3A_235 : i32
      %get3A_237 = arith.index_cast %mul3A_236 : i32 to index
      %get3A_238 = tpu.vector_load %arg17[%get3A_237] {strides = array<i32>} : memref<512xf32, #tpu.memory_space<vmem>>, vector<16xf32>,
      %add3A_239 = arith.addf %get3A_238, %get3A_220 : vector<16xf32>
      %mul3A_240 = arith.constant 16 : i32
      %mul3A_241 = arith.muli %scan3A_233, %mul3A_240 : i32
      %swap3A = arith.index_cast %mul3A_241 : i32 to index
      %swap3A_242 = tpu.vector_load %arg17[%swap3A] {strides = array<i32>} : memref<512xf32, #tpu.memory_space<vmem>>, vector<16xf32>,
      tpu.vector_store %arg17[%swap3A], %add3A_239 {strides = array<i32>} : memref<512xf32, #tpu.memory_space<vmem>>, vector<16xf32>,
      %scan3A_243 = arith.constant 0 : i32
      scf.yield %scan3A_243 : i32
    }
    %scan3A_227 = arith.constant 32 : i32
    %mul3A_228 = arith.constant 8192 : i32
    %mul3A_229 = arith.muli %arg0, %mul3A_228 : i32
    %mul3A_230 = arith.constant 512 : i32
    %mul3A_231 = arith.muli %arg1, %mul3A_230 : i32
    %add3A_232 = arith.addi %mul3A_229, %mul3A_231 : i32
    "tpu.region"() ({
      %run_scoped3A = tpu.sem_alloc : memref<!tpu.dma_semaphore, #tpu.memory_space<semaphore_mem>>
      %dma_start3A_233 = tpu.memref_slice %arg6[%add3A_232] : memref<16384xf32, #tpu.memory_space<hbm>> -> memref<512xf32, #tpu.memory_space<hbm>>
      %dma_start3A_234 = tpu.memref_slice %arg6[%add3A_232] : memref<16384xf32, #tpu.memory_space<hbm>> -> memref<512xf32, #tpu.memory_space<hbm>>
      tpu.enqueue_dma source(%arg17 : memref<512xf32, #tpu.memory_space<vmem>>) target(%dma_start3A_234 : memref<512xf32, #tpu.memory_space<hbm>>) target_semaphore(%run_scoped3A : memref<!tpu.dma_semaphore, #tpu.memory_space<semaphore_mem>>)
      %dma_wait3A_235 = tpu.memref_slice %arg6[%add3A_232] : memref<16384xf32, #tpu.memory_space<hbm>> -> memref<512xf32, #tpu.memory_space<hbm>>
      %dma_wait3A_236 = tpu.memref_slice %arg6[%add3A_232] : memref<16384xf32, #tpu.memory_space<hbm>> -> memref<512xf32, #tpu.memory_space<hbm>>
      tpu.wait_dma2 semaphore(%run_scoped3A : memref<!tpu.dma_semaphore, #tpu.memory_space<semaphore_mem>>) src(%arg17 : memref<512xf32, #tpu.memory_space<vmem>>) dst(%dma_wait3A_236 : memref<512xf32, #tpu.memory_space<hbm>>)
      tpu.yield
    }) : () -> ()
    return
  }
}

</mosaic_0001>

<sc_bundles>
// kernel: kernel.3.cloned.1.call-start
scs
__scs_entry_jumppad:
0x0: {  	(pc) =	sbr.rel $0x88, $3  }
0x1: {  	(tag) =	ssettag $0x0;
	lr =	simm.s32 $0x1  }
0x2: {  	[smem:$0x3F9E] =	sst lr;
	_ =	strace $0xD0000000  }
0x3: {  	_ = 	snop  }
0x4: {  	_ = 	snop  }
0x5: {  	_ = 	snop  }
0x6: {  	_ = 	snop  }
0x7: {  	_ = 	snop  }
__scs_overlays_trampoline_lowered:
0x8: {  	[smem:$0x3FAD] =	sst s0  }
0x9: {  	[smem:$0x3FAE] =	sst s1  }
0xa: {  	[smem:$0x3FAF] =	sst s2  }
0xb: {  	[smem:$0x3FB0] =	sst s3  }
0xc: {  	[smem:$0x3FB1] =	sst s4  }
0xd: {  	[smem:$0x3FB2] =	sst s5  }
0xe: {  	[smem:$0x3FB3] =	sst s6  }
0xf: {  	[smem:$0x3FB4] =	sst s7  }
0x10: {  	[smem:$0x3FB5] =	sst s8  }
0x11: {  	[smem:$0x3FB6] =	sst s9;
	s0 =	simm.s32 @!p0 $0x0  }
0x12: {  	s1 =	sld [smem:$0x3F9C];
	s0 =	simm.s32 @p0 $0x1  }
0x13: {  	[smem:$0x3FB7] =	sst s0;
	s0 =	simm.s32 @!p1 $0x0  }
0x14: {  	s2 =	sld [smem:$0x3F9B];
	s0 =	simm.s32 @p1 $0x1  }
0x15: {  	[smem:$0x3FB8] =	sst s0;
	s0 =	simm.s32 @!p2 $0x0  }
0x16: {  	s3 =	sld [smem:$0x3FDB];
	s0 =	simm.s32 @p2 $0x1  }
0x17: {  	s4 =	simm.s32 $0x1BF5;
	[smem:$0x3FBA] =	sst s0  }
0x18: {  	s0 =	sld [smem:$0x3F9D];
	_ =	swait.ge [sflag:s4], $0x0  }
0x19: {  	s7 =	sld [smem:$0x3F9E]  }
0x1a: {  	s8 =	sadd.s32 $0xFFFFE003, lr  }
0x1b: {  	s9 =	sadd.s32 $0xFFFFFEF7, lr;
	s5 =	simm.s32 $0xFFFFFFFF;
	p2 =	slt.u32 s8, $0xFFFFF086  }
0x1c: {  	p1 =	slt.u32 s9, $0xF7A;
	s5 =	simm.s32 @!p2 $0x0  }
0x1d: {  	s5 =	simm.s32 @p1 $0x1;
	p0 =	seq.s32 s7, s2  }
0x1e: {  	s7 =	smul.u32 @!p0 $0xF7A, s2;
	p2 =	seq.s32 @!p0 s5, $0x0  }
0x1f: {  	s9 =	smul.u32 $0xF7A, s1;
	s8 =	simm.s32 @!p0 $0x1BF5;
	p2 =	por !p2, p0  }
0x20: {  	[sflag:s8] =	ssyncset.s32 @!p0 $0xFFFFF086;
	s6 =	sadd.s32 @!p0 s3, s7;
	s7 =	simm.s32 @!p0 $0x108  }
0x21: {  	s3 =	sadd.s32 s3, s9;
	s6 =	sadd.s32 @!p0 $0x88, s6;
	s7 =	simm.s32 @p2 $0x1082  }
0x22: {  	[simem:s7], [sflag:s8] =	dma.local @!p0 [hbm:s6], $0xF7A  }
0x23: {  	s9 =	sor.u32 $0xD0000000, s2;
	s6 =	simm.s32 $0x108;
	_ =	swait.ge @!p0 [sflag:s8], $0x0  }
0x24: {  	s3 =	sadd.s32 $0x88, s3;
	s6 =	simm.s32 @!p1 $0x1082;
	[sflag:s4] =	ssyncset.s32 $0xFFFFF086  }
0x25: {  	[simem:s6], [sflag:s4] =	dma.local [hbm:s3], $0xF7A  }
0x26: {  	[smem:$0x3F9E] =	sst s1;
	(tag) =	ssettag s2;
	_ =	strace s9  }
0x27: {  	s1 =	sld [smem:$0x3FAE]  }
0x28: {  	s2 =	sld [smem:$0x3FAF]  }
0x29: {  	s4 =	sld [smem:$0x3FB1]  }
0x2a: {  	p0 =	seq.s32 s5, $0x0;
	s5 =	sld [smem:$0x3FB2]  }
0x2b: {  	s6 =	sld [smem:$0x3FB3]  }
0x2c: {  	s7 =	sld [smem:$0x3FB4]  }
0x2d: {  	s3 =	simm.s32 $0x108;
	s8 =	sld [smem:$0x3FB5]  }
0x2e: {  	s3 =	simm.s32 @!p0 $0x1082;
	s9 =	sld [smem:$0x3FB6]  }
0x2f: {  	lr =	sadd.s32 s0, s3;
	s0 =	sld [smem:$0x3FAD]  }
0x30: {  	s3 =	sld [smem:$0x3FB0]  }
0x31: {  	[smem:$0x3FB9] =	sst s10  }
0x32: {  	s10 =	sld [smem:$0x3FB7];
	_ =	sdelay $0x3  }
0x33: {  	p0 =	seq.s32 s10, $0x1;
	s10 =	sld [smem:$0x3FB9];
	_ =	sdelay $0x3  }
0x34: {  	[smem:$0x3FB9] =	sst s10  }
0x35: {  	s10 =	sld [smem:$0x3FB8];
	_ =	sdelay $0x3  }
0x36: {  	p1 =	seq.s32 s10, $0x1;
	s10 =	sld [smem:$0x3FB9];
	_ =	sdelay $0x3  }
0x37: {  	[smem:$0x3FB9] =	sst s10  }
0x38: {  	s10 =	sld [smem:$0x3FBA]  }
0x39: {  	_ = 	snop;
	(pc) =	sbr.ind lr, $3  }
0x3a: {  	_ = 	snop  }
0x3b: {  	_ = 	snop  }
0x3c: {  	p2 =	seq.s32 s10, $0x1;
	s10 =	sld [smem:$0x3FB9]  }
0x3d: {  	_ =	shalt  }
0x3e: {  	_ =	shalt  }
0x3f: {  	_ =	shalt  }
0x40: {  	_ =	shalt  }
0x41: {  	_ =	shalt  }
0x42: {  	_ =	shalt  }
0x43: {  	_ =	shalt  }
0x44: {  	_ =	shalt  }
0x45: {  	_ =	shalt  }
0x46: {  	_ =	shalt  }
0x47: {  	_ =	shalt  }
0x48: {  	_ =	shalt  }
0x49: {  	_ =	shalt  }
0x4a: {  	_ =	shalt  }
0x4b: {  	_ =	shalt  }
0x4c: {  	_ =	shalt  }
0x4d: {  	_ =	shalt  }
0x4e: {  	_ =	shalt  }
0x4f: {  	_ =	shalt  }
0x50: {  	_ =	shalt  }
0x51: {  	_ =	shalt  }
0x52: {  	_ =	shalt  }
0x53: {  	_ =	shalt  }
0x54: {  	_ =	shalt  }
0x55: {  	_ =	shalt  }
0x56: {  	_ =	shalt  }
0x57: {  	_ =	shalt  }
0x58: {  	_ =	shalt  }
0x59: {  	_ =	shalt  }
0x5a: {  	_ =	shalt  }
0x5b: {  	_ =	shalt  }
0x5c: {  	_ =	shalt  }
0x5d: {  	_ =	shalt  }
0x5e: {  	_ =	shalt  }
0x5f: {  	_ =	shalt  }
0x60: {  	_ =	shalt  }
0x61: {  	_ =	shalt  }
0x62: {  	_ =	shalt  }
0x63: {  	_ =	shalt  }
0x64: {  	_ =	shalt  }
0x65: {  	_ =	shalt  }
0x66: {  	_ =	shalt  }
0x67: {  	_ =	shalt  }
0x68: {  	_ =	shalt  }
0x69: {  	_ =	shalt  }
0x6a: {  	_ =	shalt  }
0x6b: {  	_ =	shalt  }
0x6c: {  	_ =	shalt  }
0x6d: {  	_ =	shalt  }
0x6e: {  	_ =	shalt  }
0x6f: {  	_ =	shalt  }
0x70: {  	_ =	shalt  }
0x71: {  	_ =	shalt  }
0x72: {  	_ =	shalt  }
0x73: {  	_ =	shalt  }
0x74: {  	_ =	shalt  }
0x75: {  	_ =	shalt  }
0x76: {  	_ =	shalt  }
0x77: {  	_ =	shalt  }
0x78: {  	_ =	shalt  }
0x79: {  	_ =	shalt  }
0x7a: {  	_ =	shalt  }
0x7b: {  	_ =	shalt  }
0x7c: {  	_ =	shalt  }
0x7d: {  	_ =	shalt  }
0x7e: {  	_ =	shalt  }
0x7f: {  	_ =	shalt  }
0x80: {  	_ =	shalt  }
0x81: {  	_ =	shalt  }
0x82: {  	_ =	shalt  }
0x83: {  	_ =	shalt  }
0x84: {  	_ =	shalt  }
0x85: {  	_ =	shalt  }
0x86: {  	_ =	shalt  }
0x87: {  	_ =	shalt  }
.Lfunc_end0:
.L_simem_size_0:
called_computation_lowered:
.L_overlay_start_0:
0x88: {  	s2 =	sld [smem:$0x3FD9]  }
0x89: {  	s3 =	sld [smem:$0x3FFE];
	_ =	sdelay $0x1  }
0x8a: {  	s1 =	srdreg.scid  }
0x8b: {  	s0 =	sand.u32 $0x1, s1  }
0x8c: {  	s17 =	sshll.u32 s0, $0xA;
	s2 =	sadd.s32 s3, s2  }
0x8d: {  	s2 =	sadd.s32 s2, s17  }
0x8e: {  	[smem:$0x3FC5] =	sst s2  }
0x8f: {  	_ = 	snop  }
0x90: {  	s2 =	sld [smem:$0x3FC9]  }
0x91: {  	s18 =	sld [smem:$0x3FD0];
	(tm) =	ssettm $0x1  }
0x92: {  	s4 =	sld [smem:$0x3FFB];
	_ =	sdelay $0x3  }
0x93: {  	_ =	strace s4  }
0x94: {  	s4 =	sld [smem:$0x3FFC];
	_ =	sdelay $0x3  }
0x95: {  	_ =	strace s4  }
0x96: {  	s4 =	sld [smem:$0x3FFD];
	_ =	sdelay $0x3  }
0x97: {  	_ =	strace s4  }
0x98: {  	_ =	strace $0x8FFFFFFF  }
0x99: {  	s19 =	sld [smem:$0x3FDB];
	_ =	sdelay $0x1  }
0x9a: {  	s5 =	simm.s32 $_scs_section_size  }
0x9b: {  	s6 =	simm.s32 $_size__tile_overlayer_lowered;
	s7 =	simm.s32 $_tile_overlayer_lowered  }
0x9c: {  	s22 =	simm.s32 $0x1BFF;
	s21 =	sshll.u32 s7, $0x1;
	s4 =	sadd.s32 s5, s19  }
0x9d: {  	s8 =	simm.s32 $0x0;
	s20 =	sshll.u32 s6, $0x1;
	s6 =	sadd.s32 s21, s4  }
0x9e: {  	[timem:s8], [sflag:s22] =	dma.local [hbm:s6], s20  }
0x9f: {  	_ =	swait.ge [sflag:s22], s20  }
0xa0: {  	s5 =	ssub.s32 $0x0, s20;
	[sflag:s22] =	ssyncset.done $0x0  }
0xa1: {  	[sflag:s22] =	ssyncadd.s32 s5;
	_ =	sdelay $0x1  }
0xa2: {  	s23 =	simm.s32 $0x1B8B  }
0xa3: {  	_ =	swait.ge [sflag:s23], $0x1  }
0xa4: {  	[sflag:s23] =	ssyncset.done $0x0  }
0xa5: {  	s25 =	simm.s32 $0x1B8E;
	s24 =	sld [smem:$0x3FFE];
	[sflag:s23] =	ssyncadd.s32 $0xFFFFFFFF  }
0xa6: {  	s26 =	simm.s32 $execute0_lowered;
	[smem:$0x3FD2] =	sst s25  }
0xa7: {  	s6 =	sshll.u32 s26, $0x1;
	_ =	strace $0x80000046;
	[dreg:$0x1] =	wrdreg $0xFFFFFFFF  }
0xa8: {  	s28 =	simm.s32 $_size_execute0_lowered;
	s4 =	sadd.s32 s4, s6;
	[dreg:$0x0] =	wrdreg $0x0  }
0xa9: {  	s6 =	sshll.u32 s28, $0x1;
	[dreg:$0x2] =	wrdreg s4  }
0xaa: {  	[dreg:$0x3] =	wrdreg s6  }
0xab: {  	[dreg:$0x4] =	wrdreg $0xC0  }
0xac: {  	_ =	task [dreg:s8], $0x5FFFF  }
0xad: {  	[dreg:$0x1] =	wrdreg $0xFFFFFFFF  }
0xae: {  	[dreg:$0x0] =	wrdreg $0x60  }
0xaf: {  	[dreg:$0x2] =	wrdreg s2  }
0xb0: {  	[dreg:$0x3] =	wrdreg s24  }
0xb1: {  	[dreg:$0x4] =	wrdreg s18  }
0xb2: {  	[dreg:$0x5] =	wrdreg $0x1BD000  }
0xb3: {  	[dreg:$0x6] =	wrdreg $0x9  }
0xb4: {  	_ =	task.clear_ibuf [dreg:s8], $0x7FFFF;
	_ =	strace $0x90000046  }
0xb5: {  	s29 =	simm.s32 $0x9;
	_ =	strace $0x80000048  }
0xb6: {  	_ =	swait.ge [sflag:s29], $0x1  }
0xb7: {  	[sflag:s29] =	ssyncadd.s32 $0xFFFFFFFF  }
0xb8: {  	_ =	strace $0x90000048  }
0xb9: {  	_ =	sfence  }
0xba: {  	s30 =	sld [smem:$0x0];
	_ =	sdelay $0x2  }
0xbb: {  	s31 =	sshll.u32 s1, $0xD;
	s1 =	sshrl.u32 s1, $0x2  }
0xbc: {  	s3 =	sand.u32 $0x4000, s31;
	s1 =	sadd.s32 s1, s30  }
0xbd: {  	s0 =	sor.u32 s3, s0;
	s1 =	sshll.u32 s1, $0x11  }
0xbe: {  	s0 =	sor.u32 s1, s0  }
0xbf: {  	s0 =	sadd.s32 $0x8F2B, s0  }
0xc0: {  	[sflag:s0] =	ssyncadd.remote.s32 $0x1  }
0xc1: {  	_ =	sfence.sel $0xFFFF  }
0xc2: {  	[dreg:$0x0] =	wrdreg $0xFFFFFFFF;
	(pc) =	sbr.abs _section_cstart, $3  }
0xc3: {  	[dreg:$0x1] =	wrdreg $0xFFFFFFFF  }
0xc4: {  	_ =	task.clear_ibuf [dreg:s8], $0x2FFFF;
	_ =	strace $0x9FFFFFFF  }
0xc5: {  	(tm) =	ssettm $0x7FFFFFFF  }
tec
execute0_lowered:
.L_overlay_start_1:
0x0: {  	(tag) =	ssettag $0x1  }
0x1: {  	s0 =	rddreg [dreg:$0x0]  }
0x2: {  	s1 =	rddreg [dreg:$0x1]  }
0x3: {  	s2 =	rddreg [dreg:$0x2]  }
0x4: {  	s3 =	rddreg [dreg:$0x3]  }
0x5: {  	s4 =	simm.s32 $0x0;
	s18 =	stileid.u32;
	s23 =	srdreg.scid  }
0x6: {  	s28 =	simm.s32 $0x1AA80;
	s29 =	simm.s32 $0x18A80;
	s30 =	simm.s32 $0x1B280  }
0x7: {  	s31 =	simm.s32 $0x19280;
	p0 =	slt.u32 s18, $0xA;
	s5 =	sshll.u32 s18, $0x1  }
0x8: {  	s6 =	sadd.s32 $0xA, s18;
	[smem:$0x7FF] =	sst s4;
	s9 =	sadd.s32 $0x200, s1  }
0x9: {  	s7 =	sand.u32 $0x1, s23;
	s10 =	sshllo.u32 s18, $0x1;
	s26 =	sshll.u32 s18, $0xF  }
0xa: {  	s6 =	smov.u32 @p0 s5;
	_ =	strace $0x80000047;
	s8 =	ssub.s32 $0x2, s7  }
0xb: {  	s14 =	smul.u32 $0x963E, s10;
	s5 =	sadd.s32 $0x1EA00, s1;
	s16 =	sshll.u32 s7, $0x10  }
0xc: {  	s10 =	sshll.u32 s10, $0x7;
	s19 =	sshll.u32 s7, $0xD;
	p0 =	sgt.u32 s18, $0x9  }
0xd: {  	s11 =	smul.u32 $0x963E, s6;
	s12 =	sshrl.u32 s8, $0x1;
	s15 =	sshll.u32 s6, $0xE  }
0xe: {  	s6 =	sshll.u32 s6, $0x7;
	p2 =	sne.s32 @p0 s18, $0xF;
	s12 =	ssub.s32 s8, s12  }
0xf: {  	s25 =	sshrl.u32 s14, $0x7;
	s6 =	sor.u32 s15, s6;
	s15 =	sor.u32 s10, s26  }
0x10: {  	p1 =	por p2, !p0;
	p2 =	por !p2, !p0;
	s24 =	sshrl.u32 s11, $0x7  }
0x11: {  	s8 =	sand.u32 $0x3FF8, s25;
	s6 =	sand.u32 $0x60380, s6;
	s20 =	sand.u32 $0x60380, s15  }
0x12: {  	s25 =	sshll.u32 s18, $0x9;
	s12 =	smax.u32 s12, $0x1;
	s15 =	simm.s32 $0x4000  }
0x13: {  	s18 =	simm.s32 $0x2;
	s13 =	sand.u32 $0x3FF8, s24;
	s17 =	smin.u32 s8, $0x1D48  }
0x14: {  	s6 =	sor.u32 s16, s6;
	s22 =	sor.u32 s16, s20;
	s10 =	sadd.s32 s25, s3  }
0x15: {  	s20 =	simm.s32 $0x17800;
	s13 =	smin.u32 s13, $0x1D48;
	s6 =	sshrl.u32 s6, $0x3  }
0x16: {  	s23 =	sshrl.u32 s22, $0x3;
	s24 =	sshll.u32 s17, $0x4;
	s26 =	sshll.u32 s17, $0x7  }
0x17: {  	s17 =	simm.s32 $0x1BA80;
	s22 =	simm.s32 $0x800;
	s6 =	sadd.s32 s0, s6  }
0x18: {  	s21 =	sshll.u32 s13, $0x4;
	s8 =	sadd.s32 s0, s23;
	s13 =	sshll.u32 s13, $0x7  }
0x19: {  	s0 =	sor.u32 s25, s19;
	s23 =	simm.s32 $0x80;
	s19 =	simm.s32 $0x1  }
0x1a: {  	s25 =	simm.s32 $0x1A280;
	s7 =	sadd.s32 s9, s21;
	s9 =	sadd.s32 s9, s24  }
0x1b: {  	s16 =	ssub.s32 s11, s13;
	s13 =	ssub.s32 $0xEAC0E, s13;
	s0 =	sshrl.u32 s0, $0x3  }
0x1c: {  	v3 =	vlaneseq.u32;
	v4 =	vimm.f32 $0.0e+00;
	s21 =	simm.s32 $0xDC00;
	s11 =	sadd.s32 s2, s0;
	s0 =	ssub.s32 s14, s26  }
0x1d: {  	s24 =	simm.s32 $0x17A80;
	v0 =	vmov s16;
	v1 =	vmov s13;
	s26 =	simm.s32 $0x18280;
	v2 =	vmov s0;
	s0 =	simm.s32 $0x0  }
.LBB2_1:
0x1e: {  	s2 =	simm.s32 $0x400  }
0x1f: {  	[tilespmem:s4], [sflag:$0x1] =	stream.strided.gather [hbm4b:s6+s23], $0x2000, s2, s23, $0x38;
	[tilespmem:$0x1BF00] =	vst v63  }
0x20: {  	_ = 	snop  }
0x21: {  	[tilespmem:s15], [sflag:$0x1] =	stream.linear.gather [hbm4b:s7+s4], $0x9C00, $0x38;
	[tilespmem:$0x1BF00] =	vst v63  }
0x22: {  	s16 =	simm.s32 $0x1BC80;
	p4 =	por @p0 $0x0, $0x0;
	s13 =	simm.s32 @!p1 $0x17800  }
0x23: {  	[tilespmem:s16], [sflag:$0x1] =	stream.linear.gather [hbm4b:s5+s4], $0x80, $0x38;
	[tilespmem:$0x1BF00] =	vst v63  }
0x24: {  	s14 =	simm.s32 @!p0 $0x2000;
	p3 =	por @!p1 $0x1, $0x1;
	s2 =	simm.s32 @!p1 $0x0  }
0x25: {  	[tilespmem:s13], [sflag:$0x1] =	stream.linear.gather @!p1 [hbm4b:s1+s2], $0x280, $0x38;
	[tilespmem:$0x1BF00] =	vst v63  }
0x26: {  	p3 =	por @!p2 p4, p4;
	s2 =	simm.s32 @!p0 $0x80;
	s13 =	simm.s32 @!p0 $0x400  }
0x27: {  	[tilespmem:s14], [sflag:$0x1] =	stream.strided.gather @!p0 [hbm4b:s8+s2], $0x2000, s13, s2, $0x38;
	[tilespmem:$0x1BF00] =	vst v63  }
0x28: {  	p4 =	por @!p0 $0x0, $0x0;
	s2 =	simm.s32 @!p0 $0x0;
	s13 =	simm.s32 @!p0 $0xDC00  }
0x29: {  	[tilespmem:s13], [sflag:$0x1] =	stream.linear.gather @!p0 [hbm4b:s9+s2], $0x9C00, $0x38;
	[tilespmem:$0x1BF00] =	vst v63  }
0x2a: {  	p3 =	por @!p0 p4, p4;
	s2 =	simm.s32 $0x19A80;
	s13 =	simm.s32 $0x0  }
.LBB2_2:
0x2b: {  	p4 =	sne.s32 s13, $0x7F0  }
.Ltmp0:
0x2c: {  	_ = 	snop;
	(pc) =	sbr.rel @p4 .LBB2_2-.Ltmp0, $3  }
0x2d: {  	_ =	sdelay $0x1  }
0x2e: {  	v5 =	vor.u32 s13, v3  }
0x2f: {  	s13 =	sadd.s32 $0x10, s13;
	[tilespmem:s2+$0x0] =	vst v5;
	s2 =	sadd.s32 $0x10, s2  }
0x30: {  	s2 =	simm.s32 $0x800;
	s13 =	simm.s32 $0x1A280  }
.LBB2_4:
0x31: {  	p4 =	sne.s32 s2, $0xFF0  }
.Ltmp1:
0x32: {  	_ = 	snop;
	(pc) =	sbr.rel @p4 .LBB2_4-.Ltmp1, $3  }
0x33: {  	_ =	sdelay $0x1  }
0x34: {  	v5 =	vor.u32 s2, v3  }
0x35: {  	s2 =	sadd.s32 $0x10, s2;
	[tilespmem:s13+$0x0] =	vst v5;
	s13 =	sadd.s32 $0x10, s13  }
0x36: {  	s2 =	simm.s32 $0x1000;
	s13 =	simm.s32 $0x1AA80  }
.LBB2_6:
0x37: {  	p4 =	sne.s32 s2, $0x17F0  }
.Ltmp2:
0x38: {  	_ = 	snop;
	(pc) =	sbr.rel @p4 .LBB2_6-.Ltmp2, $3  }
0x39: {  	_ =	sdelay $0x1  }
0x3a: {  	v5 =	vor.u32 s2, v3  }
0x3b: {  	s2 =	sadd.s32 $0x10, s2;
	[tilespmem:s13+$0x0] =	vst v5;
	s13 =	sadd.s32 $0x10, s13  }
0x3c: {  	s13 =	simm.s32 $0x1800  }
0x3d: {  	s2 =	simm.s32 $0x1B280;
	v5 =	vor.u32 s13, v3  }
0x3e: {  	s13 =	simm.s32 $0x1810;
	[tilespmem:s2+$0x0] =	vst v5  }
.LBB2_8:
0x3f: {  	p4 =	sne.s32 s13, $0x1FF0  }
.Ltmp3:
0x40: {  	_ = 	snop;
	(pc) =	sbr.rel @p4 .LBB2_8-.Ltmp3, $3  }
0x41: {  	_ =	sdelay $0x1  }
0x42: {  	v5 =	vor.u32 s13, v3;
	s13 =	sadd.s32 $0x10, s13;
	s2 =	sadd.s32 $0x10, s2  }
0x43: {  	[tilespmem:s2+$0x0] =	vst v5  }
0x44: {  	[tilespmem:$0x1BA80] =	vst v4  }
0x45: {  	[tilespmem:$0x1BA90] =	vst v4  }
0x46: {  	[tilespmem:$0x1BAA0] =	vst v4  }
0x47: {  	[tilespmem:$0x1BAB0] =	vst v4  }
0x48: {  	[tilespmem:$0x1BAC0] =	vst v4  }
0x49: {  	[tilespmem:$0x1BAD0] =	vst v4  }
0x4a: {  	[tilespmem:$0x1BAE0] =	vst v4  }
0x4b: {  	[tilespmem:$0x1BAF0] =	vst v4  }
0x4c: {  	[tilespmem:$0x1BB00] =	vst v4  }
0x4d: {  	[tilespmem:$0x1BB10] =	vst v4  }
0x4e: {  	[tilespmem:$0x1BB20] =	vst v4  }
0x4f: {  	[tilespmem:$0x1BB30] =	vst v4  }
0x50: {  	[tilespmem:$0x1BB40] =	vst v4  }
0x51: {  	[tilespmem:$0x1BB50] =	vst v4  }
0x52: {  	[tilespmem:$0x1BB60] =	vst v4  }
0x53: {  	[tilespmem:$0x1BB70] =	vst v4  }
0x54: {  	[tilespmem:$0x1BB80] =	vst v4  }
0x55: {  	[tilespmem:$0x1BB90] =	vst v4  }
0x56: {  	[tilespmem:$0x1BBA0] =	vst v4  }
0x57: {  	[tilespmem:$0x1BBB0] =	vst v4  }
0x58: {  	[tilespmem:$0x1BBC0] =	vst v4  }
0x59: {  	[tilespmem:$0x1BBD0] =	vst v4  }
0x5a: {  	[tilespmem:$0x1BBE0] =	vst v4  }
0x5b: {  	[tilespmem:$0x1BBF0] =	vst v4  }
0x5c: {  	[tilespmem:$0x1BC00] =	vst v4  }
0x5d: {  	[tilespmem:$0x1BC10] =	vst v4  }
0x5e: {  	[tilespmem:$0x1BC20] =	vst v4  }
0x5f: {  	[tilespmem:$0x1BC30] =	vst v4  }
0x60: {  	[tilespmem:$0x1BC40] =	vst v4  }
0x61: {  	[tilespmem:$0x1BC50] =	vst v4  }
0x62: {  	[tilespmem:$0x1BC60] =	vst v4  }
0x63: {  	[tilespmem:$0x1BC70] =	vst v4  }
0x64: {  	[spmem:s10] =	stream.linear.scatter [tilespmem:s17], [sflag:$0x2], $0x200, $0x38;
	[tilespmem:$0x1BF00] =	vst v63  }
0x65: {  	_ =	swait.ge [sflag:s18], $0x200  }
0x66: {  	[sflag:s18] =	ssyncset.done $0x0  }
0x67: {  	[sflag:s18] =	ssyncadd.s32 $0xFFFFFE00  }
0x68: {  	[bflag:$0x0] =	sbarrier.arrive $0xFFFF  }
0x69: {  	_ =	swait.ge [sflag:s19], $0x2000  }
0x6a: {  	[sflag:s19] =	ssyncset.done $0x0  }
0x6b: {  	[sflag:s19] =	ssyncadd.s32 $0xFFFFE000  }
0x6c: {  	_ =	swait.ge [sflag:s19], $0x9C00  }
.Ltmp4:
0x6d: {  	[sflag:s19] =	ssyncset.done $0x0;
	(pc) =	sbr.rel @!p3 .LBB2_19-.Ltmp4, $4  }
0x6e: {  	[sflag:s19] =	ssyncadd.s32 $0xFFFF6400  }
0x6f: {  	_ =	swait.ge [sflag:s19], $0x80  }
0x70: {  	[sflag:s19] =	ssyncset.done $0x0  }
0x71: {  	[sflag:s19] =	ssyncadd.s32 $0xFFFFFF80  }
0x72: {  	_ =	swait.ge [sflag:s19], $0x280  }
0x73: {  	[sflag:s19] =	ssyncset.done $0x0  }
0x74: {  	s2 =	simm.s32 $0x0;
	[sflag:s19] =	ssyncadd.s32 $0xFFFFFD80  }
0x75: {  	v5 =	vld [tilespmem:s2+$0x0];
	_ =	sdelay $0x4  }
0x76: {  	v5 =	vadd.s32 v1, v5  }
0x77: {  	v6 =	vadd.s32 $0xFFFF6400, v5  }
0x78: {  	v7 =	vld [tilespmem:s2+$0x10];
	vm0 =	vgt.s32 v6, $0x0  }
0x79: {  	v6 =	vnsel vm0, $0x0, v6  }
0x7a: {  	v6 =	vmin.u32 v6, $0x24B;
	_ =	sdelay $0x1  }
0x7b: {  	s13 =	simm.s32 $0x20  }
0x7c: {  	v10 =	vadd.s32 v1, v7;
	v7 =	vld [tilespmem:s13+$0x0]  }
0x7d: {  	v8 =	vld.idx.msk [tilespmem:v5+s15+$0x0], $0xffff  }
0x7e: {  	v9 =	vld.idx.msk [tilespmem:v6+s20+$0x0], $0xffff;
	v6 =	vadd.s32 $0xFFFF6400, v10  }
0x7f: {  	vm0 =	vgt.s32 v6, $0x0  }
0x80: {  	v6 =	vnsel vm0, $0x0, v6  }
0x81: {  	v11 =	vmin.u32 v6, $0x24B  }
0x82: {  	vm0 =	vgt.s32 v5, $0x9BFF  }
0x83: {  	v5 =	vadd.s32 v1, v7;
	v7 =	vsel vm0, v9, v8  }
0x84: {  	v6 =	vld [tilespmem:s13+$0x10];
	[tilespmem:s2+$0x17A80] =	vst v7  }
0x85: {  	v7 =	vld.idx.msk [tilespmem:v10+s15+$0x0], $0xffff  }
0x86: {  	v8 =	vadd.s32 $0xFFFF6400, v5;
	v9 =	vld.idx.msk [tilespmem:v11+s20+$0x0], $0xffff  }
0x87: {  	vm0 =	vgt.s32 v8, $0x0  }
0x88: {  	v8 =	vnsel vm0, $0x0, v8  }
0x89: {  	s23 =	smov.u32 s1;
	s14 =	simm.s32 $0x100;
	s16 =	simm.s32 $0x0;
	vm0 =	vgt.s32 v10, $0x9BFF;
	v8 =	vmin.u32 v8, $0x24B  }
.LBB2_11:
0x8a: {  	_ = 	snop  }
0x8b: {  	p3 =	seq.s32 s14, $0x1F80;
	v7 =	vsel vm0, v9, v7;
	s1 =	smov.u32 s14;
	s14 =	sadd.s32 $0x80, s14  }
0x8c: {  	[tilespmem:s16+$0x17A90] =	vst v7;
	s16 =	smov.u32 s13  }
0x8d: {  	v10 =	vadd.s32 v1, v6;
	v7 =	vld.idx.msk [tilespmem:v5+s15+$0x0], $0xffff  }
0x8e: {  	v6 =	vadd.s32 $0xFFFF6400, v10;
	v8 =	vld.idx.msk [tilespmem:v8+s20+$0x0], $0xffff  }
0x8f: {  	vm0 =	vgt.s32 v6, $0x0  }
0x90: {  	v6 =	vnsel vm0, $0x0, v6  }
0x91: {  	s13 =	sshra.s32 s1, $0x2;
	v9 =	vmin.u32 v6, $0x24B  }
0x92: {  	v11 =	vld [tilespmem:s13+$0x0]  }
0x93: {  	vm0 =	vgt.s32 v5, $0x9BFF;
	v6 =	vld [tilespmem:s13+$0x10]  }
0x94: {  	v5 =	vsel vm0, v8, v7  }
0x95: {  	[tilespmem:s16+$0x17A80] =	vst v5  }
0x96: {  	v7 =	vld.idx.msk [tilespmem:v10+s15+$0x0], $0xffff  }
.Ltmp5:
0x97: {  	v5 =	vadd.s32 v1, v11;
	v9 =	vld.idx.msk [tilespmem:v9+s20+$0x0], $0xffff;
	(pc) =	sbr.rel @!p3 .LBB2_11-.Ltmp5, $4  }
0x98: {  	v8 =	vadd.s32 $0xFFFF6400, v5  }
0x99: {  	vm0 =	vgt.s32 v8, $0x0  }
0x9a: {  	v8 =	vnsel vm0, $0x0, v8  }
0x9b: {  	vm0 =	vgt.s32 v10, $0x9BFF;
	v8 =	vmin.u32 v8, $0x24B  }
0x9c: {  	_ =	sdelay $0x1  }
0x9d: {  	v7 =	vsel vm0, v9, v7  }
0x9e: {  	[tilespmem:s16+$0x17A90] =	vst v7  }
0x9f: {  	v6 =	vadd.s32 v1, v6;
	v7 =	vld.idx.msk [tilespmem:v5+s15+$0x0], $0xffff  }
0xa0: {  	v9 =	vadd.s32 $0xFFFF6400, v6;
	v8 =	vld.idx.msk [tilespmem:v8+s20+$0x0], $0xffff  }
0xa1: {  	vm0 =	vgt.s32 v9, $0x0  }
0xa2: {  	v9 =	vnsel vm0, $0x0, v9  }
0xa3: {  	v9 =	vmin.u32 v9, $0x24B  }
0xa4: {  	vm0 =	vgt.s32 v5, $0x9BFF  }
0xa5: {  	v5 =	vsel vm0, v8, v7  }
0xa6: {  	[tilespmem:s13+$0x17A80] =	vst v5  }
0xa7: {  	v5 =	vld.idx.msk [tilespmem:v6+s15+$0x0], $0xffff  }
0xa8: {  	v7 =	vld.idx.msk [tilespmem:v9+s20+$0x0], $0xffff;
	_ =	sdelay $0x3  }
0xa9: {  	vm0 =	vgt.s32 v6, $0x9BFF  }
0xaa: {  	v5 =	vsel vm0, v7, v5  }
0xab: {  	[tilespmem:s13+$0x17A90] =	vst v5  }
0xac: {  	v5 =	vld [tilespmem:s2+$0x800];
	_ =	sdelay $0x4  }
0xad: {  	v5 =	vadd.s32 v1, v5  }
0xae: {  	v6 =	vadd.s32 $0xFFFF6400, v5  }
0xaf: {  	v7 =	vld [tilespmem:s2+$0x810];
	vm0 =	vgt.s32 v6, $0x0  }
0xb0: {  	v6 =	vnsel vm0, $0x0, v6  }
0xb1: {  	v6 =	vmin.u32 v6, $0x24B;
	_ =	sdelay $0x1  }
0xb2: {  	s13 =	simm.s32 $0x20  }
0xb3: {  	v10 =	vadd.s32 v1, v7;
	v7 =	vld [tilespmem:s13+$0x800]  }
0xb4: {  	v8 =	vld.idx.msk [tilespmem:v5+s15+$0x0], $0xffff  }
0xb5: {  	v9 =	vld.idx.msk [tilespmem:v6+s20+$0x0], $0xffff;
	v6 =	vadd.s32 $0xFFFF6400, v10  }
0xb6: {  	vm0 =	vgt.s32 v6, $0x0  }
0xb7: {  	v6 =	vnsel vm0, $0x0, v6  }
0xb8: {  	v11 =	vmin.u32 v6, $0x24B  }
0xb9: {  	vm0 =	vgt.s32 v5, $0x9BFF  }
0xba: {  	v5 =	vadd.s32 v1, v7;
	v7 =	vsel vm0, v9, v8  }
0xbb: {  	v6 =	vld [tilespmem:s13+$0x810];
	[tilespmem:s2+$0x18280] =	vst v7  }
0xbc: {  	v7 =	vld.idx.msk [tilespmem:v10+s15+$0x0], $0xffff  }
0xbd: {  	v8 =	vadd.s32 $0xFFFF6400, v5;
	v9 =	vld.idx.msk [tilespmem:v11+s20+$0x0], $0xffff  }
0xbe: {  	vm0 =	vgt.s32 v8, $0x0  }
0xbf: {  	v8 =	vnsel vm0, $0x0, v8  }
0xc0: {  	s14 =	simm.s32 $0x100;
	vm0 =	vgt.s32 v10, $0x9BFF;
	v8 =	vmin.u32 v8, $0x24B  }
.LBB2_13:
0xc1: {  	_ = 	snop  }
0xc2: {  	p3 =	seq.s32 s14, $0x1F80;
	v7 =	vsel vm0, v9, v7;
	s1 =	smov.u32 s14;
	s14 =	sadd.s32 $0x80, s14  }
0xc3: {  	[tilespmem:s2+$0x18290] =	vst v7;
	s2 =	smov.u32 s13  }
0xc4: {  	v10 =	vadd.s32 v1, v6;
	v7 =	vld.idx.msk [tilespmem:v5+s15+$0x0], $0xffff  }
0xc5: {  	v6 =	vadd.s32 $0xFFFF6400, v10;
	v8 =	vld.idx.msk [tilespmem:v8+s20+$0x0], $0xffff  }
0xc6: {  	vm0 =	vgt.s32 v6, $0x0  }
0xc7: {  	v6 =	vnsel vm0, $0x0, v6  }
0xc8: {  	s13 =	sshra.s32 s1, $0x2;
	v9 =	vmin.u32 v6, $0x24B  }
0xc9: {  	v11 =	vld [tilespmem:s13+$0x800]  }
0xca: {  	vm0 =	vgt.s32 v5, $0x9BFF;
	v6 =	vld [tilespmem:s13+$0x810]  }
0xcb: {  	v5 =	vsel vm0, v8, v7  }
0xcc: {  	[tilespmem:s2+$0x18280] =	vst v5  }
0xcd: {  	v7 =	vld.idx.msk [tilespmem:v10+s15+$0x0], $0xffff  }
.Ltmp6:
0xce: {  	v5 =	vadd.s32 v1, v11;
	v9 =	vld.idx.msk [tilespmem:v9+s20+$0x0], $0xffff;
	(pc) =	sbr.rel @!p3 .LBB2_13-.Ltmp6, $4  }
0xcf: {  	v8 =	vadd.s32 $0xFFFF6400, v5  }
0xd0: {  	vm0 =	vgt.s32 v8, $0x0  }
0xd1: {  	v8 =	vnsel vm0, $0x0, v8  }
0xd2: {  	vm0 =	vgt.s32 v10, $0x9BFF;
	v8 =	vmin.u32 v8, $0x24B  }
0xd3: {  	_ =	sdelay $0x1  }
0xd4: {  	v7 =	vsel vm0, v9, v7  }
0xd5: {  	[tilespmem:s2+$0x18290] =	vst v7  }
0xd6: {  	v6 =	vadd.s32 v1, v6;
	v7 =	vld.idx.msk [tilespmem:v5+s15+$0x0], $0xffff  }
0xd7: {  	v9 =	vadd.s32 $0xFFFF6400, v6;
	v8 =	vld.idx.msk [tilespmem:v8+s20+$0x0], $0xffff  }
0xd8: {  	vm0 =	vgt.s32 v9, $0x0  }
0xd9: {  	v9 =	vnsel vm0, $0x0, v9  }
0xda: {  	v9 =	vmin.u32 v9, $0x24B  }
0xdb: {  	vm0 =	vgt.s32 v5, $0x9BFF  }
0xdc: {  	v5 =	vsel vm0, v8, v7  }
0xdd: {  	[tilespmem:s13+$0x18280] =	vst v5  }
0xde: {  	v5 =	vld.idx.msk [tilespmem:v6+s15+$0x0], $0xffff  }
0xdf: {  	v7 =	vld.idx.msk [tilespmem:v9+s20+$0x0], $0xffff;
	_ =	sdelay $0x3  }
0xe0: {  	vm0 =	vgt.s32 v6, $0x9BFF  }
0xe1: {  	v5 =	vsel vm0, v7, v5  }
0xe2: {  	s2 =	simm.s32 $0x0;
	[tilespmem:s13+$0x18290] =	vst v5  }
0xe3: {  	v5 =	vld [tilespmem:s2+$0x1000];
	_ =	sdelay $0x4  }
0xe4: {  	v5 =	vadd.s32 v1, v5  }
0xe5: {  	v6 =	vadd.s32 $0xFFFF6400, v5  }
0xe6: {  	v7 =	vld [tilespmem:s2+$0x1010];
	vm0 =	vgt.s32 v6, $0x0  }
0xe7: {  	v6 =	vnsel vm0, $0x0, v6  }
0xe8: {  	v6 =	vmin.u32 v6, $0x24B;
	_ =	sdelay $0x1  }
0xe9: {  	s13 =	simm.s32 $0x20  }
0xea: {  	v10 =	vadd.s32 v1, v7;
	v7 =	vld [tilespmem:s13+$0x1000]  }
0xeb: {  	v8 =	vld.idx.msk [tilespmem:v5+s15+$0x0], $0xffff  }
0xec: {  	v9 =	vld.idx.msk [tilespmem:v6+s20+$0x0], $0xffff;
	v6 =	vadd.s32 $0xFFFF6400, v10  }
0xed: {  	vm0 =	vgt.s32 v6, $0x0  }
0xee: {  	v6 =	vnsel vm0, $0x0, v6  }
0xef: {  	v11 =	vmin.u32 v6, $0x24B  }
0xf0: {  	vm0 =	vgt.s32 v5, $0x9BFF  }
0xf1: {  	v5 =	vadd.s32 v1, v7;
	v7 =	vsel vm0, v9, v8  }
0xf2: {  	v6 =	vld [tilespmem:s13+$0x1010];
	[tilespmem:s2+$0x18A80] =	vst v7  }
0xf3: {  	v7 =	vld.idx.msk [tilespmem:v10+s15+$0x0], $0xffff  }
0xf4: {  	v8 =	vadd.s32 $0xFFFF6400, v5;
	v9 =	vld.idx.msk [tilespmem:v11+s20+$0x0], $0xffff  }
0xf5: {  	vm0 =	vgt.s32 v8, $0x0  }
0xf6: {  	v8 =	vnsel vm0, $0x0, v8  }
0xf7: {  	s14 =	simm.s32 $0x100;
	s16 =	simm.s32 $0x0;
	vm0 =	vgt.s32 v10, $0x9BFF;
	v8 =	vmin.u32 v8, $0x24B  }
.LBB2_15:
0xf8: {  	_ = 	snop  }
0xf9: {  	p3 =	seq.s32 s14, $0x1F80;
	v7 =	vsel vm0, v9, v7;
	s1 =	smov.u32 s14;
	s14 =	sadd.s32 $0x80, s14  }
0xfa: {  	[tilespmem:s16+$0x18A90] =	vst v7;
	s16 =	smov.u32 s13  }
0xfb: {  	v10 =	vadd.s32 v1, v6;
	v7 =	vld.idx.msk [tilespmem:v5+s15+$0x0], $0xffff  }
0xfc: {  	v6 =	vadd.s32 $0xFFFF6400, v10;
	v8 =	vld.idx.msk [tilespmem:v8+s20+$0x0], $0xffff  }
0xfd: {  	vm0 =	vgt.s32 v6, $0x0  }
0xfe: {  	v6 =	vnsel vm0, $0x0, v6  }
0xff: {  	s13 =	sshra.s32 s1, $0x2;
	v9 =	vmin.u32 v6, $0x24B  }
0x100: {  	v11 =	vld [tilespmem:s13+$0x1000]  }
0x101: {  	vm0 =	vgt.s32 v5, $0x9BFF;
	v6 =	vld [tilespmem:s13+$0x1010]  }
0x102: {  	v5 =	vsel vm0, v8, v7  }
0x103: {  	[tilespmem:s16+$0x18A80] =	vst v5  }
0x104: {  	v7 =	vld.idx.msk [tilespmem:v10+s15+$0x0], $0xffff  }
.Ltmp7:
0x105: {  	v5 =	vadd.s32 v1, v11;
	v9 =	vld.idx.msk [tilespmem:v9+s20+$0x0], $0xffff;
	(pc) =	sbr.rel @!p3 .LBB2_15-.Ltmp7, $4  }
0x106: {  	v8 =	vadd.s32 $0xFFFF6400, v5  }
0x107: {  	vm0 =	vgt.s32 v8, $0x0  }
0x108: {  	v8 =	vnsel vm0, $0x0, v8  }
0x109: {  	vm0 =	vgt.s32 v10, $0x9BFF;
	v8 =	vmin.u32 v8, $0x24B  }
0x10a: {  	_ =	sdelay $0x1  }
0x10b: {  	v7 =	vsel vm0, v9, v7  }
0x10c: {  	[tilespmem:s16+$0x18A90] =	vst v7  }
0x10d: {  	v6 =	vadd.s32 v1, v6;
	v7 =	vld.idx.msk [tilespmem:v5+s15+$0x0], $0xffff  }
0x10e: {  	v9 =	vadd.s32 $0xFFFF6400, v6;
	v8 =	vld.idx.msk [tilespmem:v8+s20+$0x0], $0xffff  }
0x10f: {  	vm0 =	vgt.s32 v9, $0x0  }
0x110: {  	v9 =	vnsel vm0, $0x0, v9  }
0x111: {  	v9 =	vmin.u32 v9, $0x24B  }
0x112: {  	vm0 =	vgt.s32 v5, $0x9BFF  }
0x113: {  	v5 =	vsel vm0, v8, v7  }
0x114: {  	[tilespmem:s13+$0x18A80] =	vst v5  }
0x115: {  	v5 =	vld.idx.msk [tilespmem:v6+s15+$0x0], $0xffff  }
0x116: {  	v7 =	vld.idx.msk [tilespmem:v9+s20+$0x0], $0xffff;
	_ =	sdelay $0x3  }
0x117: {  	vm0 =	vgt.s32 v6, $0x9BFF  }
0x118: {  	v5 =	vsel vm0, v7, v5  }
0x119: {  	[tilespmem:s13+$0x18A90] =	vst v5  }
0x11a: {  	v5 =	vld [tilespmem:s2+$0x1800];
	_ =	sdelay $0x4  }
0x11b: {  	v5 =	vadd.s32 v1, v5  }
0x11c: {  	v6 =	vadd.s32 $0xFFFF6400, v5  }
0x11d: {  	v7 =	vld [tilespmem:s2+$0x1810];
	vm0 =	vgt.s32 v6, $0x0  }
0x11e: {  	v6 =	vnsel vm0, $0x0, v6  }
0x11f: {  	v6 =	vmin.u32 v6, $0x24B;
	_ =	sdelay $0x1  }
0x120: {  	s13 =	simm.s32 $0x20  }
0x121: {  	v10 =	vadd.s32 v1, v7;
	v7 =	vld [tilespmem:s13+$0x1800]  }
0x122: {  	v8 =	vld.idx.msk [tilespmem:v5+s15+$0x0], $0xffff  }
0x123: {  	v9 =	vld.idx.msk [tilespmem:v6+s20+$0x0], $0xffff;
	v6 =	vadd.s32 $0xFFFF6400, v10  }
0x124: {  	vm0 =	vgt.s32 v6, $0x0  }
0x125: {  	v6 =	vnsel vm0, $0x0, v6  }
0x126: {  	v11 =	vmin.u32 v6, $0x24B  }
0x127: {  	vm0 =	vgt.s32 v5, $0x9BFF  }
0x128: {  	v5 =	vadd.s32 v1, v7;
	v7 =	vsel vm0, v9, v8  }
0x129: {  	v6 =	vld [tilespmem:s13+$0x1810];
	[tilespmem:s2+$0x19280] =	vst v7  }
0x12a: {  	v7 =	vld.idx.msk [tilespmem:v10+s15+$0x0], $0xffff  }
0x12b: {  	v8 =	vadd.s32 $0xFFFF6400, v5;
	v9 =	vld.idx.msk [tilespmem:v11+s20+$0x0], $0xffff  }
0x12c: {  	vm0 =	vgt.s32 v8, $0x0  }
0x12d: {  	v8 =	vnsel vm0, $0x0, v8  }
0x12e: {  	s14 =	simm.s32 $0x100;
	vm0 =	vgt.s32 v10, $0x9BFF;
	v8 =	vmin.u32 v8, $0x24B  }
.LBB2_17:
0x12f: {  	_ = 	snop  }
0x130: {  	p3 =	sne.s32 s14, $0x1F80;
	v7 =	vsel vm0, v9, v7;
	s1 =	smov.u32 s14;
	s14 =	sadd.s32 $0x80, s14  }
0x131: {  	[tilespmem:s2+$0x19290] =	vst v7;
	s2 =	smov.u32 s13  }
0x132: {  	v10 =	vadd.s32 v1, v6;
	v7 =	vld.idx.msk [tilespmem:v5+s15+$0x0], $0xffff  }
0x133: {  	v6 =	vadd.s32 $0xFFFF6400, v10;
	v8 =	vld.idx.msk [tilespmem:v8+s20+$0x0], $0xffff  }
0x134: {  	vm0 =	vgt.s32 v6, $0x0  }
0x135: {  	v6 =	vnsel vm0, $0x0, v6  }
0x136: {  	s13 =	sshra.s32 s1, $0x2;
	v9 =	vmin.u32 v6, $0x24B  }
0x137: {  	v11 =	vld [tilespmem:s13+$0x1800]  }
0x138: {  	vm0 =	vgt.s32 v5, $0x9BFF;
	v6 =	vld [tilespmem:s13+$0x1810]  }
0x139: {  	v5 =	vsel vm0, v8, v7  }
0x13a: {  	[tilespmem:s2+$0x19280] =	vst v5  }
0x13b: {  	v7 =	vld.idx.msk [tilespmem:v10+s15+$0x0], $0xffff  }
.Ltmp8:
0x13c: {  	v5 =	vadd.s32 v1, v11;
	v9 =	vld.idx.msk [tilespmem:v9+s20+$0x0], $0xffff;
	(pc) =	sbr.rel @p3 .LBB2_17-.Ltmp8, $4  }
0x13d: {  	v8 =	vadd.s32 $0xFFFF6400, v5  }
0x13e: {  	vm0 =	vgt.s32 v8, $0x0  }
0x13f: {  	v8 =	vnsel vm0, $0x0, v8  }
0x140: {  	vm0 =	vgt.s32 v10, $0x9BFF;
	v8 =	vmin.u32 v8, $0x24B  }
0x141: {  	_ =	sdelay $0x1  }
0x142: {  	v7 =	vsel vm0, v9, v7  }
0x143: {  	[tilespmem:s2+$0x19290] =	vst v7  }
0x144: {  	v6 =	vadd.s32 v1, v6;
	v7 =	vld.idx.msk [tilespmem:v5+s15+$0x0], $0xffff  }
0x145: {  	v63 =	vadd.s32 $0xFFFF6400, v6;
	v8 =	vld.idx.msk [tilespmem:v8+s20+$0x0], $0xffff  }
0x146: {  	vm13 =	vgt.s32 v63, $0x0  }
0x147: {  	v9 =	vnsel vm13, $0x0, v63  }
0x148: {  	v9 =	vmin.u32 v9, $0x24B  }
0x149: {  	vm14 =	vgt.s32 v5, $0x9BFF  }
0x14a: {  	v5 =	vsel vm14, v8, v7  }
0x14b: {  	[tilespmem:s13+$0x19280] =	vst v5  }
0x14c: {  	v5 =	vld.idx.msk [tilespmem:v6+s15+$0x0], $0xffff  }
0x14d: {  	v7 =	vld.idx.msk [tilespmem:v9+s20+$0x0], $0xffff;
	_ =	sdelay $0x1  }
.Ltmp9:
0x14e: {  	_ = 	snop;
	(pc) =	sbr.rel .LBB2_28-.Ltmp9, $4  }
0x14f: {  	_ = 	snop  }
0x150: {  	vm15 =	vgt.s32 v6, $0x9BFF  }
0x151: {  	v5 =	vsel vm15, v7, v5  }
0x152: {  	s1 =	smov.u32 s23;
	s23 =	simm.s32 $0x80;
	[tilespmem:s13+$0x19290] =	vst v5  }
.LBB2_19:
0x153: {  	s2 =	simm.s32 $0x0  }
0x154: {  	v5 =	vld [tilespmem:s2+$0x0];
	_ =	sdelay $0x4  }
0x155: {  	v5 =	vadd.s32 v0, v5  }
0x156: {  	v6 =	vld [tilespmem:s2+$0x10];
	_ =	sdelay $0x3  }
0x157: {  	v5 =	vld.idx.msk [tilespmem:v5+s15+$0x0], $0xffff  }
0x158: {  	v6 =	vadd.s32 v0, v6  }
0x159: {  	s13 =	simm.s32 $0x20;
	s16 =	simm.s32 $0x100;
	s14 =	simm.s32 $0x0  }
.LBB2_20:
0x15a: {  	p3 =	seq.s32 s16, $0x1F80;
	v7 =	vld [tilespmem:s13+$0x0];
	_ =	sdelay $0x1  }
0x15b: {  	[tilespmem:s14+$0x17A80] =	vst v5  }
0x15c: {  	v5 =	vld.idx.msk [tilespmem:v6+s15+$0x0], $0xffff;
	_ =	sdelay $0x1  }
0x15d: {  	v6 =	vadd.s32 v0, v7;
	_ =	sdelay $0x1  }
0x15e: {  	v7 =	vld [tilespmem:s13+$0x10];
	_ =	sdelay $0x1  }
.Ltmp10:
0x15f: {  	[tilespmem:s14+$0x17A90] =	vst v5;
	s14 =	smov.u32 s13;
	(pc) =	sbr.rel @!p3 .LBB2_20-.Ltmp10, $3  }
0x160: {  	v5 =	vld.idx.msk [tilespmem:v6+s15+$0x0], $0xffff;
	_ =	sdelay $0x1  }
0x161: {  	v6 =	vadd.s32 v0, v7  }
0x162: {  	s13 =	sshra.s32 s16, $0x2;
	s16 =	sadd.s32 $0x80, s16  }
0x163: {  	v7 =	vld [tilespmem:s13+$0x0];
	_ =	sdelay $0x2  }
0x164: {  	[tilespmem:s14+$0x17A80] =	vst v5  }
0x165: {  	v5 =	vld.idx.msk [tilespmem:v6+s15+$0x0], $0xffff  }
0x166: {  	v6 =	vadd.s32 v0, v7  }
0x167: {  	v7 =	vld [tilespmem:s13+$0x10];
	_ =	sdelay $0x2  }
0x168: {  	[tilespmem:s14+$0x17A90] =	vst v5  }
0x169: {  	v5 =	vld.idx.msk [tilespmem:v6+s15+$0x0], $0xffff  }
0x16a: {  	v6 =	vadd.s32 v0, v7;
	_ =	sdelay $0x3  }
0x16b: {  	[tilespmem:s13+$0x17A80] =	vst v5  }
0x16c: {  	v5 =	vld.idx.msk [tilespmem:v6+s15+$0x0], $0xffff;
	_ =	sdelay $0x4  }
0x16d: {  	[tilespmem:s13+$0x17A90] =	vst v5  }
0x16e: {  	v5 =	vld [tilespmem:s2+$0x800];
	_ =	sdelay $0x4  }
0x16f: {  	v5 =	vadd.s32 v0, v5  }
0x170: {  	v6 =	vld [tilespmem:s2+$0x810];
	_ =	sdelay $0x3  }
0x171: {  	v5 =	vld.idx.msk [tilespmem:v5+s15+$0x0], $0xffff  }
0x172: {  	v6 =	vadd.s32 v0, v6  }
0x173: {  	s14 =	simm.s32 $0x100;
	s13 =	simm.s32 $0x20  }
.LBB2_22:
0x174: {  	p3 =	seq.s32 s14, $0x1F80;
	v7 =	vld [tilespmem:s13+$0x800];
	_ =	sdelay $0x1  }
0x175: {  	[tilespmem:s2+$0x18280] =	vst v5  }
0x176: {  	v5 =	vld.idx.msk [tilespmem:v6+s15+$0x0], $0xffff;
	_ =	sdelay $0x1  }
0x177: {  	v6 =	vadd.s32 v0, v7;
	_ =	sdelay $0x1  }
0x178: {  	v7 =	vld [tilespmem:s13+$0x810];
	_ =	sdelay $0x1  }
.Ltmp11:
0x179: {  	[tilespmem:s2+$0x18290] =	vst v5;
	s2 =	smov.u32 s13;
	(pc) =	sbr.rel @!p3 .LBB2_22-.Ltmp11, $3  }
0x17a: {  	v5 =	vld.idx.msk [tilespmem:v6+s15+$0x0], $0xffff;
	_ =	sdelay $0x1  }
0x17b: {  	v6 =	vadd.s32 v0, v7  }
0x17c: {  	s13 =	sshra.s32 s14, $0x2;
	s14 =	sadd.s32 $0x80, s14  }
0x17d: {  	v7 =	vld [tilespmem:s13+$0x800];
	_ =	sdelay $0x2  }
0x17e: {  	[tilespmem:s2+$0x18280] =	vst v5  }
0x17f: {  	v5 =	vld.idx.msk [tilespmem:v6+s15+$0x0], $0xffff  }
0x180: {  	v6 =	vadd.s32 v0, v7  }
0x181: {  	v7 =	vld [tilespmem:s13+$0x810];
	_ =	sdelay $0x2  }
0x182: {  	[tilespmem:s2+$0x18290] =	vst v5  }
0x183: {  	v5 =	vld.idx.msk [tilespmem:v6+s15+$0x0], $0xffff  }
0x184: {  	v6 =	vadd.s32 v0, v7;
	_ =	sdelay $0x3  }
0x185: {  	[tilespmem:s13+$0x18280] =	vst v5  }
0x186: {  	v5 =	vld.idx.msk [tilespmem:v6+s15+$0x0], $0xffff;
	_ =	sdelay $0x4  }
0x187: {  	s2 =	simm.s32 $0x0;
	[tilespmem:s13+$0x18290] =	vst v5  }
0x188: {  	v5 =	vld [tilespmem:s2+$0x1000];
	_ =	sdelay $0x4  }
0x189: {  	v5 =	vadd.s32 v0, v5  }
0x18a: {  	v6 =	vld [tilespmem:s2+$0x1010];
	_ =	sdelay $0x3  }
0x18b: {  	v5 =	vld.idx.msk [tilespmem:v5+s15+$0x0], $0xffff  }
0x18c: {  	v6 =	vadd.s32 v0, v6  }
0x18d: {  	s16 =	simm.s32 $0x100;
	s14 =	simm.s32 $0x0;
	s13 =	simm.s32 $0x20  }
.LBB2_24:
0x18e: {  	p3 =	seq.s32 s16, $0x1F80;
	v7 =	vld [tilespmem:s13+$0x1000];
	_ =	sdelay $0x1  }
0x18f: {  	[tilespmem:s14+$0x18A80] =	vst v5  }
0x190: {  	v5 =	vld.idx.msk [tilespmem:v6+s15+$0x0], $0xffff;
	_ =	sdelay $0x1  }
0x191: {  	v6 =	vadd.s32 v0, v7;
	_ =	sdelay $0x1  }
0x192: {  	v7 =	vld [tilespmem:s13+$0x1010];
	_ =	sdelay $0x1  }
.Ltmp12:
0x193: {  	[tilespmem:s14+$0x18A90] =	vst v5;
	s14 =	smov.u32 s13;
	(pc) =	sbr.rel @!p3 .LBB2_24-.Ltmp12, $3  }
0x194: {  	v5 =	vld.idx.msk [tilespmem:v6+s15+$0x0], $0xffff;
	_ =	sdelay $0x1  }
0x195: {  	v6 =	vadd.s32 v0, v7  }
0x196: {  	s13 =	sshra.s32 s16, $0x2;
	s16 =	sadd.s32 $0x80, s16  }
0x197: {  	v7 =	vld [tilespmem:s13+$0x1000];
	_ =	sdelay $0x2  }
0x198: {  	[tilespmem:s14+$0x18A80] =	vst v5  }
0x199: {  	v5 =	vld.idx.msk [tilespmem:v6+s15+$0x0], $0xffff  }
0x19a: {  	v6 =	vadd.s32 v0, v7  }
0x19b: {  	v7 =	vld [tilespmem:s13+$0x1010];
	_ =	sdelay $0x2  }
0x19c: {  	[tilespmem:s14+$0x18A90] =	vst v5  }
0x19d: {  	v5 =	vld.idx.msk [tilespmem:v6+s15+$0x0], $0xffff  }
0x19e: {  	v6 =	vadd.s32 v0, v7;
	_ =	sdelay $0x3  }
0x19f: {  	[tilespmem:s13+$0x18A80] =	vst v5  }
0x1a0: {  	v5 =	vld.idx.msk [tilespmem:v6+s15+$0x0], $0xffff;
	_ =	sdelay $0x4  }
0x1a1: {  	[tilespmem:s13+$0x18A90] =	vst v5  }
0x1a2: {  	v5 =	vld [tilespmem:s2+$0x1800];
	_ =	sdelay $0x4  }
0x1a3: {  	v5 =	vadd.s32 v0, v5  }
0x1a4: {  	v6 =	vld [tilespmem:s2+$0x1810];
	_ =	sdelay $0x3  }
0x1a5: {  	v5 =	vld.idx.msk [tilespmem:v5+s15+$0x0], $0xffff  }
0x1a6: {  	v6 =	vadd.s32 v0, v6  }
0x1a7: {  	s14 =	simm.s32 $0x100;
	s13 =	simm.s32 $0x20  }
.LBB2_26:
0x1a8: {  	p3 =	seq.s32 s14, $0x1F80;
	v7 =	vld [tilespmem:s13+$0x1800];
	_ =	sdelay $0x1  }
0x1a9: {  	[tilespmem:s2+$0x19280] =	vst v5  }
0x1aa: {  	v5 =	vld.idx.msk [tilespmem:v6+s15+$0x0], $0xffff;
	_ =	sdelay $0x1  }
0x1ab: {  	v6 =	vadd.s32 v0, v7;
	_ =	sdelay $0x1  }
0x1ac: {  	v7 =	vld [tilespmem:s13+$0x1810];
	_ =	sdelay $0x1  }
.Ltmp13:
0x1ad: {  	[tilespmem:s2+$0x19290] =	vst v5;
	s2 =	smov.u32 s13;
	(pc) =	sbr.rel @!p3 .LBB2_26-.Ltmp13, $3  }
0x1ae: {  	v5 =	vld.idx.msk [tilespmem:v6+s15+$0x0], $0xffff;
	_ =	sdelay $0x1  }
0x1af: {  	v6 =	vadd.s32 v0, v7  }
0x1b0: {  	s13 =	sshra.s32 s14, $0x2;
	s14 =	sadd.s32 $0x80, s14  }
0x1b1: {  	v7 =	vld [tilespmem:s13+$0x1800];
	_ =	sdelay $0x2  }
0x1b2: {  	[tilespmem:s2+$0x19280] =	vst v5  }
0x1b3: {  	v5 =	vld.idx.msk [tilespmem:v6+s15+$0x0], $0xffff  }
0x1b4: {  	v6 =	vadd.s32 v0, v7  }
0x1b5: {  	v7 =	vld [tilespmem:s13+$0x1810];
	_ =	sdelay $0x2  }
0x1b6: {  	[tilespmem:s2+$0x19290] =	vst v5  }
0x1b7: {  	v5 =	vld.idx.msk [tilespmem:v6+s15+$0x0], $0xffff  }
0x1b8: {  	v6 =	vadd.s32 v0, v7;
	_ =	sdelay $0x3  }
0x1b9: {  	[tilespmem:s13+$0x19280] =	vst v5  }
0x1ba: {  	v5 =	vld.idx.msk [tilespmem:v6+s15+$0x0], $0xffff;
	_ =	sdelay $0x4  }
0x1bb: {  	[tilespmem:s13+$0x19290] =	vst v5  }
.LBB2_28:
.Ltmp14:
0x1bc: {  	(pc) =	sbr.rel @p0 .LBB2_42-.Ltmp14, $1  }
0x1bd: {  	_ =	sdelay $0x3  }
0x1be: {  	_ =	swait.ge [sflag:s19], $0x2000  }
0x1bf: {  	[sflag:s19] =	ssyncset.done $0x0  }
0x1c0: {  	[sflag:s19] =	ssyncadd.s32 $0xFFFFE000  }
0x1c1: {  	_ =	swait.ge [sflag:s19], $0x9C00  }
0x1c2: {  	[sflag:s19] =	ssyncset.done $0x0  }
0x1c3: {  	s2 =	simm.s32 $0x0;
	[sflag:s19] =	ssyncadd.s32 $0xFFFF6400  }
0x1c4: {  	v5 =	vld [tilespmem:s2+$0x2000];
	_ =	sdelay $0x4  }
0x1c5: {  	v5 =	vadd.s32 v2, v5;
	_ =	sdelay $0x2  }
0x1c6: {  	v6 =	vld [tilespmem:s2+$0x2010]  }
0x1c7: {  	v8 =	vld [tilespmem:s2+$0x17A80]  }
0x1c8: {  	v7 =	vld.idx.msk [tilespmem:v5+s21+$0x0], $0xffff;
	_ =	sdelay $0x2  }
0x1c9: {  	v5 =	vadd.s32 v2, v6;
	_ =	sdelay $0x1  }
0x1ca: {  	v6 =	vadd.f32 v8, v7  }
0x1cb: {  	s13 =	simm.s32 $0x20;
	s14 =	simm.s32 $0x100  }
.LBB2_30:
0x1cc: {  	p3 =	sne.s32 s14, $0x1F80;
	v7 =	vld [tilespmem:s13+$0x2000];
	[tilespmem:s2+$0x17A80] =	vst v6  }
0x1cd: {  	v5 =	vld.idx.msk [tilespmem:v5+s21+$0x0], $0xffff  }
0x1ce: {  	v6 =	vld [tilespmem:s2+$0x17A90];
	_ =	sdelay $0x2  }
0x1cf: {  	v7 =	vadd.s32 v2, v7;
	_ =	sdelay $0x1  }
0x1d0: {  	v5 =	vadd.f32 v6, v5;
	_ =	sdelay $0x1  }
0x1d1: {  	v6 =	vld [tilespmem:s13+$0x2010];
	[tilespmem:s2+$0x17A90] =	vst v5;
	s2 =	smov.u32 s13  }
0x1d2: {  	v7 =	vld.idx.msk [tilespmem:v7+s21+$0x0], $0xffff  }
0x1d3: {  	v8 =	vld [tilespmem:s2+$0x17A80];
	_ =	sdelay $0x1  }
.Ltmp15:
0x1d4: {  	(pc) =	sbr.rel @p3 .LBB2_30-.Ltmp15, $3  }
0x1d5: {  	v5 =	vadd.s32 v2, v6;
	_ =	sdelay $0x1  }
0x1d6: {  	v6 =	vadd.f32 v8, v7  }
0x1d7: {  	s13 =	sshra.s32 s14, $0x2;
	s14 =	sadd.s32 $0x80, s14  }
0x1d8: {  	_ =	sdelay $0x1  }
0x1d9: {  	v7 =	vld [tilespmem:s13+$0x2000]  }
0x1da: {  	[tilespmem:s2+$0x17A80] =	vst v6;
	v6 =	vld [tilespmem:s2+$0x17A90]  }
0x1db: {  	v5 =	vld.idx.msk [tilespmem:v5+s21+$0x0], $0xffff;
	_ =	sdelay $0x2  }
0x1dc: {  	v7 =	vadd.s32 v2, v7;
	_ =	sdelay $0x1  }
0x1dd: {  	v5 =	vadd.f32 v6, v5;
	_ =	sdelay $0x1  }
0x1de: {  	v6 =	vld [tilespmem:s13+$0x2010];
	[tilespmem:s2+$0x17A90] =	vst v5  }
0x1df: {  	v5 =	vld.idx.msk [tilespmem:v7+s21+$0x0], $0xffff  }
0x1e0: {  	v7 =	vld [tilespmem:s13+$0x17A80];
	_ =	sdelay $0x2  }
0x1e1: {  	v6 =	vadd.s32 v2, v6;
	_ =	sdelay $0x1  }
0x1e2: {  	v5 =	vadd.f32 v7, v5;
	_ =	sdelay $0x1  }
0x1e3: {  	[tilespmem:s13+$0x17A80] =	vst v5  }
0x1e4: {  	v5 =	vld.idx.msk [tilespmem:v6+s21+$0x0], $0xffff  }
0x1e5: {  	v6 =	vld [tilespmem:s13+$0x17A90];
	_ =	sdelay $0x4  }
0x1e6: {  	v5 =	vadd.f32 v6, v5;
	_ =	sdelay $0x1  }
0x1e7: {  	s16 =	simm.s32 $0x19A80;
	s2 =	simm.s32 $0x0;
	[tilespmem:s13+$0x17A90] =	vst v5  }
0x1e8: {  	[spmem:s3] =	stream.indirect.scatter.add.f32 [tilespmem:s24], [sflag:$0x1], $0x1, s16, s22, $0xb8;
	[tilespmem:$0x1BF00] =	vst v63  }
0x1e9: {  	v5 =	vld [tilespmem:s2+$0x2800];
	_ =	sdelay $0x4  }
0x1ea: {  	v5 =	vadd.s32 v2, v5;
	_ =	sdelay $0x2  }
0x1eb: {  	v6 =	vld [tilespmem:s2+$0x2810]  }
0x1ec: {  	v8 =	vld [tilespmem:s2+$0x18280]  }
0x1ed: {  	v7 =	vld.idx.msk [tilespmem:v5+s21+$0x0], $0xffff;
	_ =	sdelay $0x2  }
0x1ee: {  	v5 =	vadd.s32 v2, v6;
	_ =	sdelay $0x1  }
0x1ef: {  	v6 =	vadd.f32 v8, v7  }
0x1f0: {  	s14 =	simm.s32 $0x100;
	s13 =	simm.s32 $0x20  }
.LBB2_32:
0x1f1: {  	p3 =	seq.s32 s14, $0x1F80;
	v7 =	vld [tilespmem:s13+$0x2800];
	[tilespmem:s2+$0x18280] =	vst v6  }
0x1f2: {  	v5 =	vld.idx.msk [tilespmem:v5+s21+$0x0], $0xffff  }
0x1f3: {  	v6 =	vld [tilespmem:s2+$0x18290];
	_ =	sdelay $0x2  }
0x1f4: {  	v7 =	vadd.s32 v2, v7;
	_ =	sdelay $0x1  }
0x1f5: {  	v5 =	vadd.f32 v6, v5;
	_ =	sdelay $0x1  }
0x1f6: {  	v6 =	vld [tilespmem:s13+$0x2810];
	[tilespmem:s2+$0x18290] =	vst v5;
	s2 =	smov.u32 s13  }
0x1f7: {  	v7 =	vld.idx.msk [tilespmem:v7+s21+$0x0], $0xffff  }
0x1f8: {  	v8 =	vld [tilespmem:s2+$0x18280];
	_ =	sdelay $0x1  }
.Ltmp16:
0x1f9: {  	(pc) =	sbr.rel @!p3 .LBB2_32-.Ltmp16, $3  }
0x1fa: {  	v5 =	vadd.s32 v2, v6;
	_ =	sdelay $0x1  }
0x1fb: {  	v6 =	vadd.f32 v8, v7  }
0x1fc: {  	s13 =	sshra.s32 s14, $0x2;
	s14 =	sadd.s32 $0x80, s14  }
0x1fd: {  	_ =	sdelay $0x1  }
0x1fe: {  	v7 =	vld [tilespmem:s13+$0x2800]  }
0x1ff: {  	[tilespmem:s2+$0x18280] =	vst v6;
	v6 =	vld [tilespmem:s2+$0x18290]  }
0x200: {  	v5 =	vld.idx.msk [tilespmem:v5+s21+$0x0], $0xffff;
	_ =	sdelay $0x2  }
0x201: {  	v7 =	vadd.s32 v2, v7;
	_ =	sdelay $0x1  }
0x202: {  	v5 =	vadd.f32 v6, v5;
	_ =	sdelay $0x1  }
0x203: {  	v6 =	vld [tilespmem:s13+$0x2810];
	[tilespmem:s2+$0x18290] =	vst v5  }
0x204: {  	v5 =	vld.idx.msk [tilespmem:v7+s21+$0x0], $0xffff  }
0x205: {  	v7 =	vld [tilespmem:s13+$0x18280];
	_ =	sdelay $0x2  }
0x206: {  	v6 =	vadd.s32 v2, v6;
	_ =	sdelay $0x1  }
0x207: {  	v5 =	vadd.f32 v7, v5;
	_ =	sdelay $0x1  }
0x208: {  	[tilespmem:s13+$0x18280] =	vst v5  }
0x209: {  	v5 =	vld.idx.msk [tilespmem:v6+s21+$0x0], $0xffff  }
0x20a: {  	v6 =	vld [tilespmem:s13+$0x18290];
	_ =	sdelay $0x4  }
0x20b: {  	v5 =	vadd.f32 v6, v5;
	_ =	sdelay $0x1  }
0x20c: {  	s2 =	simm.s32 $0x0;
	[tilespmem:s13+$0x18290] =	vst v5  }
0x20d: {  	[spmem:s3] =	stream.indirect.scatter.add.f32 [tilespmem:s26], [sflag:$0x1], $0x1, s25, s22, $0xb8;
	[tilespmem:$0x1BF00] =	vst v63  }
0x20e: {  	v5 =	vld [tilespmem:s2+$0x3000];
	_ =	sdelay $0x4  }
0x20f: {  	v5 =	vadd.s32 v2, v5;
	_ =	sdelay $0x2  }
0x210: {  	v6 =	vld [tilespmem:s2+$0x3010]  }
0x211: {  	v8 =	vld [tilespmem:s2+$0x18A80]  }
0x212: {  	v7 =	vld.idx.msk [tilespmem:v5+s21+$0x0], $0xffff;
	_ =	sdelay $0x2  }
0x213: {  	v5 =	vadd.s32 v2, v6;
	_ =	sdelay $0x1  }
0x214: {  	v6 =	vadd.f32 v8, v7  }
0x215: {  	s14 =	simm.s32 $0x100;
	s13 =	simm.s32 $0x20  }
.LBB2_34:
0x216: {  	p3 =	sne.s32 s14, $0x1F80;
	v7 =	vld [tilespmem:s13+$0x3000];
	[tilespmem:s2+$0x18A80] =	vst v6  }
0x217: {  	v5 =	vld.idx.msk [tilespmem:v5+s21+$0x0], $0xffff  }
0x218: {  	v6 =	vld [tilespmem:s2+$0x18A90];
	_ =	sdelay $0x2  }
0x219: {  	v7 =	vadd.s32 v2, v7;
	_ =	sdelay $0x1  }
0x21a: {  	v5 =	vadd.f32 v6, v5;
	_ =	sdelay $0x1  }
0x21b: {  	v6 =	vld [tilespmem:s13+$0x3010];
	[tilespmem:s2+$0x18A90] =	vst v5;
	s2 =	smov.u32 s13  }
0x21c: {  	v7 =	vld.idx.msk [tilespmem:v7+s21+$0x0], $0xffff  }
0x21d: {  	v8 =	vld [tilespmem:s2+$0x18A80];
	_ =	sdelay $0x1  }
.Ltmp17:
0x21e: {  	(pc) =	sbr.rel @p3 .LBB2_34-.Ltmp17, $3  }
0x21f: {  	v5 =	vadd.s32 v2, v6;
	_ =	sdelay $0x1  }
0x220: {  	v6 =	vadd.f32 v8, v7  }
0x221: {  	s13 =	sshra.s32 s14, $0x2;
	s14 =	sadd.s32 $0x80, s14  }
0x222: {  	_ =	sdelay $0x1  }
0x223: {  	v7 =	vld [tilespmem:s13+$0x3000]  }
0x224: {  	[tilespmem:s2+$0x18A80] =	vst v6;
	v6 =	vld [tilespmem:s2+$0x18A90]  }
0x225: {  	v5 =	vld.idx.msk [tilespmem:v5+s21+$0x0], $0xffff;
	_ =	sdelay $0x2  }
0x226: {  	v7 =	vadd.s32 v2, v7;
	_ =	sdelay $0x1  }
0x227: {  	v5 =	vadd.f32 v6, v5;
	_ =	sdelay $0x1  }
0x228: {  	v6 =	vld [tilespmem:s13+$0x3010];
	[tilespmem:s2+$0x18A90] =	vst v5  }
0x229: {  	v5 =	vld.idx.msk [tilespmem:v7+s21+$0x0], $0xffff  }
0x22a: {  	v7 =	vld [tilespmem:s13+$0x18A80];
	_ =	sdelay $0x2  }
0x22b: {  	v6 =	vadd.s32 v2, v6;
	_ =	sdelay $0x1  }
0x22c: {  	v5 =	vadd.f32 v7, v5;
	_ =	sdelay $0x1  }
0x22d: {  	[tilespmem:s13+$0x18A80] =	vst v5  }
0x22e: {  	v5 =	vld.idx.msk [tilespmem:v6+s21+$0x0], $0xffff  }
0x22f: {  	v6 =	vld [tilespmem:s13+$0x18A90];
	_ =	sdelay $0x4  }
0x230: {  	v5 =	vadd.f32 v6, v5;
	_ =	sdelay $0x1  }
0x231: {  	s2 =	simm.s32 $0x0;
	[tilespmem:s13+$0x18A90] =	vst v5  }
0x232: {  	[spmem:s3] =	stream.indirect.scatter.add.f32 [tilespmem:s29], [sflag:$0x1], $0x1, s28, s22, $0xb8;
	[tilespmem:$0x1BF00] =	vst v63  }
0x233: {  	v5 =	vld [tilespmem:s2+$0x3800];
	_ =	sdelay $0x4  }
0x234: {  	v5 =	vadd.s32 v2, v5;
	_ =	sdelay $0x2  }
0x235: {  	v6 =	vld [tilespmem:s2+$0x3810]  }
0x236: {  	v8 =	vld [tilespmem:s2+$0x19280]  }
0x237: {  	v7 =	vld.idx.msk [tilespmem:v5+s21+$0x0], $0xffff;
	_ =	sdelay $0x2  }
0x238: {  	v5 =	vadd.s32 v2, v6;
	_ =	sdelay $0x1  }
0x239: {  	v6 =	vadd.f32 v8, v7  }
0x23a: {  	s14 =	simm.s32 $0x100;
	s13 =	simm.s32 $0x20  }
.LBB2_36:
0x23b: {  	p3 =	sne.s32 s14, $0x1F80;
	v7 =	vld [tilespmem:s13+$0x3800];
	[tilespmem:s2+$0x19280] =	vst v6  }
0x23c: {  	v5 =	vld.idx.msk [tilespmem:v5+s21+$0x0], $0xffff  }
0x23d: {  	v6 =	vld [tilespmem:s2+$0x19290];
	_ =	sdelay $0x2  }
0x23e: {  	v7 =	vadd.s32 v2, v7;
	_ =	sdelay $0x1  }
0x23f: {  	v5 =	vadd.f32 v6, v5;
	_ =	sdelay $0x1  }
0x240: {  	v6 =	vld [tilespmem:s13+$0x3810];
	[tilespmem:s2+$0x19290] =	vst v5;
	s2 =	smov.u32 s13  }
0x241: {  	v7 =	vld.idx.msk [tilespmem:v7+s21+$0x0], $0xffff  }
0x242: {  	v8 =	vld [tilespmem:s2+$0x19280];
	_ =	sdelay $0x1  }
.Ltmp18:
0x243: {  	(pc) =	sbr.rel @p3 .LBB2_36-.Ltmp18, $3  }
0x244: {  	v5 =	vadd.s32 v2, v6;
	_ =	sdelay $0x1  }
0x245: {  	v6 =	vadd.f32 v8, v7  }
0x246: {  	s13 =	sshra.s32 s14, $0x2;
	s14 =	sadd.s32 $0x80, s14  }
0x247: {  	_ =	sdelay $0x1  }
0x248: {  	v7 =	vld [tilespmem:s13+$0x3800]  }
0x249: {  	[tilespmem:s2+$0x19280] =	vst v6;
	v6 =	vld [tilespmem:s2+$0x19290]  }
0x24a: {  	v5 =	vld.idx.msk [tilespmem:v5+s21+$0x0], $0xffff;
	_ =	sdelay $0x2  }
0x24b: {  	v7 =	vadd.s32 v2, v7;
	_ =	sdelay $0x1  }
0x24c: {  	v5 =	vadd.f32 v6, v5;
	_ =	sdelay $0x1  }
0x24d: {  	v6 =	vld [tilespmem:s13+$0x3810];
	[tilespmem:s2+$0x19290] =	vst v5  }
0x24e: {  	v5 =	vld.idx.msk [tilespmem:v7+s21+$0x0], $0xffff  }
0x24f: {  	v7 =	vld [tilespmem:s13+$0x19280];
	_ =	sdelay $0x2  }
0x250: {  	v6 =	vadd.s32 v2, v6;
	_ =	sdelay $0x1  }
0x251: {  	v5 =	vadd.f32 v7, v5;
	_ =	sdelay $0x1  }
0x252: {  	[tilespmem:s13+$0x19280] =	vst v5  }
0x253: {  	v5 =	vld.idx.msk [tilespmem:v6+s21+$0x0], $0xffff  }
0x254: {  	v6 =	vld [tilespmem:s13+$0x19290];
	_ =	sdelay $0x2  }
.Ltmp19:
0x255: {  	_ = 	snop;
	(pc) =	sbr.rel .LBB2_38-.Ltmp19, $3  }
0x256: {  	_ = 	snop  }
0x257: {  	v5 =	vadd.f32 v6, v5;
	_ =	sdelay $0x1  }
0x258: {  	[tilespmem:s13+$0x19290] =	vst v5  }
.LBB2_42:
0x259: {  	s2 =	simm.s32 $0x19A80  }
0x25a: {  	[spmem:s3] =	stream.indirect.scatter.add.f32 [tilespmem:s24], [sflag:$0x1], $0x1, s2, s22, $0xb8;
	[tilespmem:$0x1BF00] =	vst v63  }
0x25b: {  	_ = 	snop  }
0x25c: {  	[spmem:s3] =	stream.indirect.scatter.add.f32 [tilespmem:s26], [sflag:$0x1], $0x1, s25, s22, $0xb8;
	[tilespmem:$0x1BF00] =	vst v63  }
0x25d: {  	_ = 	snop  }
0x25e: {  	[spmem:s3] =	stream.indirect.scatter.add.f32 [tilespmem:s29], [sflag:$0x1], $0x1, s28, s22, $0xb8;
	[tilespmem:$0x1BF00] =	vst v63  }
.LBB2_38:
0x25f: {  	[spmem:s3] =	stream.indirect.scatter.add.f32 [tilespmem:s31], [sflag:$0x1], $0x1, s30, s22, $0xb8;
	[tilespmem:$0x1BF00] =	vst v63  }
0x260: {  	_ =	swait.ge [sflag:s19], $0x800  }
0x261: {  	[sflag:s19] =	ssyncset.done $0x0  }
0x262: {  	[sflag:s19] =	ssyncadd.s32 $0xFFFFF800  }
0x263: {  	_ =	swait.ge [sflag:s19], $0x800  }
0x264: {  	[sflag:s19] =	ssyncset.done $0x0  }
0x265: {  	[sflag:s19] =	ssyncadd.s32 $0xFFFFF800  }
0x266: {  	_ =	swait.ge [sflag:s19], $0x800  }
0x267: {  	[sflag:s19] =	ssyncset.done $0x0  }
0x268: {  	[sflag:s19] =	ssyncadd.s32 $0xFFFFF800  }
0x269: {  	_ =	swait.ge [sflag:s19], $0x800  }
0x26a: {  	[sflag:s19] =	ssyncset.done $0x0  }
0x26b: {  	[sflag:s19] =	ssyncadd.s32 $0xFFFFF800  }
0x26c: {  	[bflag:$0x0] =	sbarrier.arrive $0xFFFF  }
0x26d: {  	[tilespmem:s17], [sflag:$0x2] =	stream.linear.gather [spmem:s10], $0x200, $0x38;
	[tilespmem:$0x1BF00] =	vst v63  }
0x26e: {  	_ =	swait.ge [sflag:s18], $0x200  }
0x26f: {  	[sflag:s18] =	ssyncset.done $0x0  }
0x270: {  	[sflag:s18] =	ssyncadd.s32 $0xFFFFFE00  }
0x271: {  	s2 =	simm.s32 $0x0;
	s13 =	simm.s32 $0x40;
	v5 =	vld [tilespmem:$0x1BC80]  }
.LBB2_39:
0x272: {  	p3 =	sne.s32 s13, $0x7C0;
	v6 =	vld [tilespmem:s2+$0x1BA80];
	_ =	sdelay $0x2  }
.Ltmp20:
0x273: {  	(pc) =	sbr.rel @p3 .LBB2_39-.Ltmp20, $3  }
0x274: {  	_ = 	snop  }
0x275: {  	v6 =	vadd.f32 v6, v5;
	_ =	sdelay $0x1  }
0x276: {  	[tilespmem:s2+$0x1BA80] =	vst v6;
	s2 =	sshra.s32 s13, $0x2;
	s13 =	sadd.s32 $0x40, s13  }
0x277: {  	v6 =	vld [tilespmem:s2+$0x1BA80];
	_ =	sdelay $0x4  }
0x278: {  	s0 =	sadd.s32 $0x1, s0;
	v5 =	vadd.f32 v6, v5  }
0x279: {  	p3 =	sne.s32 s0, s12  }
.Ltmp21:
0x27a: {  	[tilespmem:s2+$0x1BA80] =	vst v5;
	(pc) =	sbr.rel @p3 .LBB2_1-.Ltmp21, $4  }
0x27b: {  	[hbm4b:s11+s4] =	stream.linear.scatter [tilespmem:s17], [sflag:$0x2], $0x200, $0x38;
	[tilespmem:$0x1BF00] =	vst v63  }
0x27c: {  	_ =	swait.ge [sflag:s18], $0x200  }
0x27d: {  	[sflag:s18] =	ssyncset.done $0x0  }
0x27e: {  	[sflag:s18] =	ssyncadd.s32 $0xFFFFFE00  }
0x27f: {  	_ =	sfence.sel $0x180000  }
0x280: {  	[bflag:$0x0] =	sbarrier.arrive $0xFFFF  }
0x281: {  	_ =	strace $0x90000047  }
0x282: {  	s0 =	stileid.u32;
	[bflag:$0x2] =	sbarrier.arrive $0xFFFF  }
0x283: {  	p0 =	sne.s32 s0, $0x0;
	s0 =	rddreg [dreg:$0x4]  }
0x284: {  	s0 =	sadd.s32 @!p0 $0x100000, s0  }
0x285: {  	[sflag:s0] =	ssyncadd.tile.s32 @!p0 $0x1;
	_ =	shalt  }
.Lfunc_end2:
_tile_overlayer_lowered:
.L_overlay_start_2:
0x286: {  	(tag) =	ssettag $0x2  }
0x287: {  	s0 =	rddreg [dreg:$0x0];
	s2 =	stileid.u32  }
0x288: {  	s1 =	rddreg [dreg:$0x1];
	p0 =	sne.s32 s2, $0x0  }
0x289: {  	s3 =	rddreg [dreg:$0x2];
	[bflag:$0x3] =	sbarrier.arrive $0xFFFF;
	s2 =	simm.s32 @!p0 $0x1C02  }
0x28a: {  	[timem:s3], [sflag:s2] =	dma.local @!p0 [hbm:s0], s1  }
0x28b: {  	s0 =	simm.s32 @!p0 $0x2  }
0x28c: {  	_ =	swait.ge @!p0 [sflag:s0], s1  }
0x28d: {  	s1 =	ssub.s32 @!p0 $0x0, s1;
	[sflag:s0] =	ssyncset.done @!p0 $0x0  }
0x28e: {  	[sflag:s0] =	ssyncadd.s32 @!p0 s1  }
0x28f: {  	[bflag:$0x3] =	sbarrier.arrive $0xFFFF  }
0x290: {  	_ =	shalt  }

</sc_bundles>
